<compile_context>
chip_gen: v7x
topology: tpu7x:2x2x1
jax: 0.10.2.dev20260603
libtpu: 0.0.44.dev20260713+nightly
codegen_flags: <defaults>
</compile_context>

<pallas_src>
import functools

import jax
import jax.numpy as jnp
from jax import lax
from jax.experimental import pallas as pl
from jax.experimental.pallas import tpu as pltpu
from jax.experimental.pallas import tpu_sc as plsc

_TARGET_WEIGHT = 0.5

_ROWS = 16384
_COLS = 200
_N = _ROWS * _COLS

_SC_ROWS = 2048
_TC_ROWS = _ROWS - _SC_ROWS
_TC_BLK = 2048
_TC_GRID = _TC_ROWS // _TC_BLK

_NC = 2
_NS = 16
_NW = _NC * _NS
_N_SC = _SC_ROWS * _COLS
_PER_W = _N_SC // _NW
_GROUPS = _PER_W // 64

_LN2 = 0.6931471805599453
_C5 = 0.030449
_C4 = -0.28382685
_C3 = 1.11609003
_C2 = -2.44002976
_C1 = 3.5140873
_C0 = -1.93675974 - 127.0 * _LN2



def _tc_body(p_ref, m_ref, out_ref):
    i = pl.program_id(0)
    p = p_ref[...]
    mf = m_ref[...].astype(jnp.float32)
    t = (1.0 - p) + mf * (p + p - 1.0)
    l2 = jnp.log2(t)
    l2n = jnp.maximum(l2, -1e30)
    s_t = jnp.sum(mf * l2)
    s_n = jnp.sum(l2n - mf * l2n)
    s_c = jnp.sum(mf)

    @pl.when(i == 0)
    def _init():
        out_ref[0, 0] = s_t
        out_ref[0, 1] = s_n
        out_ref[0, 2] = s_c

    @pl.when(i > 0)
    def _acc():
        out_ref[0, 0] += s_t
        out_ref[0, 1] += s_n
        out_ref[0, 2] += s_c


_tc_partials = pl.pallas_call(
    _tc_body,
    grid=(_TC_GRID,),
    in_specs=[
        pl.BlockSpec((_COLS, _TC_BLK), lambda i: (0, i)),
        pl.BlockSpec((_COLS, _TC_BLK), lambda i: (0, i)),
    ],
    out_specs=pl.BlockSpec((1, 3), lambda i: (0, 0),
                           memory_space=pltpu.SMEM),
    out_shape=jax.ShapeDtypeStruct((1, 3), jnp.float32),
)



def _log_f32(t):
    bits = plsc.bitcast(t, jnp.int32)
    raw_e = jnp.right_shift(bits, 23)
    mant = plsc.bitcast((bits & 0x7FFFFF) | 0x3F800000, jnp.float32)
    ef = raw_e.astype(jnp.float32)
    poly = _C5 * mant + _C4
    poly = poly * mant + _C3
    poly = poly * mant + _C2
    poly = poly * mant + _C1
    poly = poly * mant + _C0
    logt = ef * _LN2 + poly
    return jnp.where(t > 0.0, logt, jnp.float32(-jnp.inf))


def _sc_body(x_hbm, out_hbm, xbuf, vout, sem):
    wid = lax.axis_index("s") * _NC + lax.axis_index("c")
    base = pl.multiple_of(wid * _PER_W, _PER_W)

    cp = pltpu.make_async_copy(x_hbm.at[pl.ds(base, _PER_W)], xbuf, sem)
    cp.start()

    zf = jnp.zeros((16,), jnp.float32)

    def it(i, carry):
        acc_t, acc_n, cnt = carry
        off = i * 64
        nt, nn, nc = [], [], []
        for k in range(4):
            x = xbuf[pl.ds(off + 16 * k, 16)]
            pred = x >= 0.0
            t = jnp.abs(x)
            logt = _log_f32(t)
            nt.append(acc_t[k] + jnp.where(pred, logt, 0.0))
            nn.append(acc_n[k] + jnp.where(pred, 0.0, logt))
            nc.append(cnt[k] + jnp.where(pred, 1.0, 0.0))
        return tuple(nt), tuple(nn), tuple(nc)

    cp.wait()
    acc_t, acc_n, cnt = lax.fori_loop(
        0, _GROUPS, it,
        ((zf,) * 4, (zf,) * 4, (zf,) * 4), unroll=2)

    vout[0, :] = (acc_t[0] + acc_t[1]) + (acc_t[2] + acc_t[3])
    vout[1, :] = (acc_n[0] + acc_n[1]) + (acc_n[2] + acc_n[3])
    vout[2, :] = (cnt[0] + cnt[1]) + (cnt[2] + cnt[3])
    pltpu.sync_copy(vout, out_hbm.at[wid])


_sc_partials = None if not _SC_ROWS else functools.partial(
    pl.kernel,
    mesh=plsc.VectorSubcoreMesh(core_axis_name="c", subcore_axis_name="s"),
    out_type=jax.ShapeDtypeStruct((_NW, 3, 16), jnp.float32),
    compiler_params=pltpu.CompilerParams(needs_layout_passes=False),
    scratch_types=[
        pltpu.VMEM((_PER_W,), jnp.float32),
        pltpu.VMEM((3, 16), jnp.float32),
        pltpu.SemaphoreType.DMA,
    ],
)(_sc_body)



def kernel(prob_pred, mask_gt):
    if _SC_ROWS:
        p_tail = prob_pred[_TC_ROWS:]
        m_tail = mask_gt[_TC_ROWS:]
        x = jnp.where(m_tail, p_tail, p_tail - 1.0).reshape(_N_SC)
        sc = _sc_partials(x)
        sc_t = jnp.sum(sc[:, 0, :])
        sc_n = jnp.sum(sc[:, 1, :])
        sc_c = jnp.sum(sc[:, 2, :])
    else:
        sc_t = sc_n = sc_c = jnp.float32(0.0)

    tc = _tc_partials(prob_pred.T, mask_gt.view(jnp.uint8).T)

    sum_t = tc[0, 0] * jnp.float32(_LN2) + sc_t
    sum_n = tc[0, 1] * jnp.float32(_LN2) + sc_n
    n_t = tc[0, 2] + sc_c
    n_n = jnp.float32(_N) - n_t
    loss_t = -sum_t / n_t
    loss_n = -sum_n / n_n
    loss = _TARGET_WEIGHT * loss_t + (1.0 - _TARGET_WEIGHT) * loss_n
    return (loss, loss_t, loss_n)

# --- scband reference (transcript-rebuilt; emitter-appended) ---
"""Pipeline reference for scband-rank-prob-loss-52939766890730 (READ-ONLY COPY).

The authoritative reference and input builder live on the scoring server;
editing this copy changes nothing except your own understanding.
"""

import jax, jax.numpy as jnp
import numpy as np

TARGET_WEIGHT = 0.5

def setup_inputs(seed: int = 0) -> dict:
    key = jax.random.key(seed)
    k1, k2 = jax.random.split(key)
    prob_pred = jax.random.uniform(k1, (16384, 200), dtype=jnp.float32)
    mask_gt = jax.random.randint(k2, (16384, 200), 0, 2).astype(jnp.bool_)
    return {"prob_pred": prob_pred, "mask_gt": mask_gt}

def reference(prob_pred, mask_gt):
    # torch: prob_pred.squeeze(); masked_select -> mean of log(p) over mask,
    # mean of log(1-p) over ~mask. Implemented with static shapes via masked sums.
    p = jnp.squeeze(prob_pred)
    m = jnp.squeeze(mask_gt)
    n_tgt = jnp.sum(m).astype(jnp.float32)
    n_nontgt = jnp.sum(~m).astype(jnp.float32)
    log_tgt = jnp.where(m, jnp.log(p), 0.0)
    log_nontgt = jnp.where(~m, jnp.log(1.0 - p), 0.0)
    loss_tgt = -jnp.sum(log_tgt) / n_tgt
    loss_nontgt = -jnp.sum(log_nontgt) / n_nontgt
    loss = TARGET_WEIGHT * loss_tgt + (1.0 - TARGET_WEIGHT) * loss_nontgt
    return (loss, loss_tgt, loss_nontgt)

if __name__ == "__main__":
    import jax
    _d = setup_inputs()
    print(jax.jit(kernel)(*tuple(_d.values())))

</pallas_src>

<mosaic_0001>
#map = affine_map<(d0, d1) -> (0)>
#map1 = affine_map<(d0, d1) -> (0, 0, 0)>
module attributes {stable_mosaic.version = 14 : i64} {
  func.func @_sc_body(%arg0: i32, %arg1: i32, %arg2: memref<409600xf32, #tpu.memory_space<hbm>>, %arg3: memref<32x3x16xf32, #tpu.memory_space<hbm>>, %arg4: memref<12800xf32, #tpu.memory_space<vmem>>, %arg5: memref<3x16xf32, #tpu.memory_space<vmem>>, %arg6: memref<!tpu.dma_semaphore, #tpu.memory_space<semaphore_mem>>) attributes {dimension_semantics = [#tpu.dimension_semantics<core_parallel>, #tpu.dimension_semantics<subcore_parallel>], iteration_bounds = array<i64: 2, 16>, scalar_prefetch = 0 : i64, scratch_operands = 3 : i64, tpu.core_type = #tpu.core_type<sc_vector_subcore>, window_params = [{transform_indices = #map}, {transform_indices = #map1}]} {
    %mul3A = arith.constant 2 : i32
    %mul3A_0 = arith.muli %arg1, %mul3A : i32
    %add3A = arith.addi %mul3A_0, %arg0 : i32
    %mul3A_1 = arith.constant 12800 : i32
    %mul3A_2 = arith.muli %add3A, %mul3A_1 : i32
    %multiple_of3A = tpu.assume_multiple %mul3A_2, 12800 : i32
    %dma_start3A = tpu.memref_slice %arg2[%multiple_of3A] : memref<409600xf32, #tpu.memory_space<hbm>> -> memref<12800xf32, #tpu.memory_space<hbm>>
    %dma_start3A_3 = tpu.memref_slice %arg2[%multiple_of3A] : memref<409600xf32, #tpu.memory_space<hbm>> -> memref<12800xf32, #tpu.memory_space<hbm>>
    tpu.enqueue_dma source(%dma_start3A_3 : memref<12800xf32, #tpu.memory_space<hbm>>) target(%arg4 : memref<12800xf32, #tpu.memory_space<vmem>>) target_semaphore(%arg6 : memref<!tpu.dma_semaphore, #tpu.memory_space<semaphore_mem>>)
    %broadcast_in_dim3A = arith.constant 0.000000e+00 : f32
    %broadcast_in_dim3A_4 = vector.broadcast %broadcast_in_dim3A : f32 to vector<16xf32>
    %dma_wait3A = tpu.memref_slice %arg2[%multiple_of3A] : memref<409600xf32, #tpu.memory_space<hbm>> -> memref<12800xf32, #tpu.memory_space<hbm>>
    %dma_wait3A_5 = tpu.memref_slice %arg2[%multiple_of3A] : memref<409600xf32, #tpu.memory_space<hbm>> -> memref<12800xf32, #tpu.memory_space<hbm>>
    tpu.wait_dma2 semaphore(%arg6 : memref<!tpu.dma_semaphore, #tpu.memory_space<semaphore_mem>>) src(%dma_wait3A_5 : memref<12800xf32, #tpu.memory_space<hbm>>) dst(%arg4 : memref<12800xf32, #tpu.memory_space<vmem>>)
    %scan3A = arith.constant 0 : i32
    %scan3A_6 = arith.constant 200 : i32
    %scan3A_7 = arith.addi %scan3A, %scan3A_6 : i32
    %scan3A_8 = arith.constant 2 : i32
    %scan3A_9:12 = scf.for %scan3A_31 = %scan3A to %scan3A_7 step %scan3A_8 iter_args(%scan3A_32 = %broadcast_in_dim3A_4, %scan3A_33 = %broadcast_in_dim3A_4, %scan3A_34 = %broadcast_in_dim3A_4, %scan3A_35 = %broadcast_in_dim3A_4, %scan3A_36 = %broadcast_in_dim3A_4, %scan3A_37 = %broadcast_in_dim3A_4, %scan3A_38 = %broadcast_in_dim3A_4, %scan3A_39 = %broadcast_in_dim3A_4, %scan3A_40 = %broadcast_in_dim3A_4, %scan3A_41 = %broadcast_in_dim3A_4, %scan3A_42 = %broadcast_in_dim3A_4, %scan3A_43 = %broadcast_in_dim3A_4) -> (vector<16xf32>, vector<16xf32>, vector<16xf32>, vector<16xf32>, vector<16xf32>, vector<16xf32>, vector<16xf32>, vector<16xf32>, vector<16xf32>, vector<16xf32>, vector<16xf32>, vector<16xf32>)  : i32 {
      %mul3A_44 = arith.constant 64 : i32
      %mul3A_45 = arith.muli %scan3A_31, %mul3A_44 : i32
      %add3A_46 = arith.constant 0 : i32
      %add3A_47 = arith.addi %mul3A_45, %add3A_46 : i32
      %get3A = arith.index_cast %add3A_47 : i32 to index
      %get3A_48 = tpu.vector_load %arg4[%get3A] {strides = array<i32>} : memref<12800xf32, #tpu.memory_space<vmem>>, vector<16xf32>,
      %ge3A = arith.constant 0.000000e+00 : f32
      %ge3A_49 = vector.broadcast %ge3A : f32 to vector<16xf32>
      %ge3A_50 = arith.cmpf oge, %get3A_48, %ge3A_49 : vector<16xf32>
      %abs3A = math.absf %get3A_48 : vector<16xf32>
      %bitcast3A = vector.bitcast %abs3A : vector<16xf32> to vector<16xi32>
      %shift_right_arithmetic3A = arith.constant 23 : i32
      %shift_right_arithmetic3A_51 = vector.broadcast %shift_right_arithmetic3A : i32 to vector<16xi32>
      %shift_right_arithmetic3A_52 = arith.shrsi %bitcast3A, %shift_right_arithmetic3A_51 : vector<16xi32>
      %and3A = arith.constant 8388607 : i32
      %and3A_53 = vector.broadcast %and3A : i32 to vector<16xi32>
      %and3A_54 = arith.andi %bitcast3A, %and3A_53 : vector<16xi32>
      %or3A = arith.constant 1065353216 : i32
      %or3A_55 = vector.broadcast %or3A : i32 to vector<16xi32>
      %or3A_56 = arith.ori %and3A_54, %or3A_55 : vector<16xi32>
      %bitcast3A_57 = vector.bitcast %or3A_56 : vector<16xi32> to vector<16xf32>
      %convert_element_type3A = arith.sitofp %shift_right_arithmetic3A_52 : vector<16xi32> to vector<16xf32>
      %mul3A_58 = arith.constant 3.044900e-02 : f32
      %mul3A_59 = vector.broadcast %mul3A_58 : f32 to vector<16xf32>
      %mul3A_60 = arith.mulf %mul3A_59, %bitcast3A_57 : vector<16xf32>
      %add3A_61 = arith.constant -0.283826858 : f32
      %add3A_62 = vector.broadcast %add3A_61 : f32 to vector<16xf32>
      %add3A_63 = arith.addf %mul3A_60, %add3A_62 : vector<16xf32>
      %mul3A_64 = arith.mulf %add3A_63, %bitcast3A_57 : vector<16xf32>
      %add3A_65 = arith.constant 1.116090e+00 : f32
      %add3A_66 = vector.broadcast %add3A_65 : f32 to vector<16xf32>
      %add3A_67 = arith.addf %mul3A_64, %add3A_66 : vector<16xf32>
      %mul3A_68 = arith.mulf %add3A_67, %bitcast3A_57 : vector<16xf32>
      %add3A_69 = arith.constant -2.44002986 : f32
      %add3A_70 = vector.broadcast %add3A_69 : f32 to vector<16xf32>
      %add3A_71 = arith.addf %mul3A_68, %add3A_70 : vector<16xf32>
      %mul3A_72 = arith.mulf %add3A_71, %bitcast3A_57 : vector<16xf32>
      %add3A_73 = arith.constant 3.5140872 : f32
      %add3A_74 = vector.broadcast %add3A_73 : f32 to vector<16xf32>
      %add3A_75 = arith.addf %mul3A_72, %add3A_74 : vector<16xf32>
      %mul3A_76 = arith.mulf %add3A_75, %bitcast3A_57 : vector<16xf32>
      %add3A_77 = arith.constant -89.9664536 : f32
      %add3A_78 = vector.broadcast %add3A_77 : f32 to vector<16xf32>
      %add3A_79 = arith.addf %mul3A_76, %add3A_78 : vector<16xf32>
      %mul3A_80 = arith.constant 0.693147182 : f32
      %mul3A_81 = vector.broadcast %mul3A_80 : f32 to vector<16xf32>
      %mul3A_82 = arith.mulf %convert_element_type3A, %mul3A_81 : vector<16xf32>
      %add3A_83 = arith.addf %mul3A_82, %add3A_79 : vector<16xf32>
      %gt3A = arith.constant 0.000000e+00 : f32
      %gt3A_84 = vector.broadcast %gt3A : f32 to vector<16xf32>
      %gt3A_85 = arith.cmpf ogt, %abs3A, %gt3A_84 : vector<16xf32>
      %jit3A = arith.constant 0xFF800000 : f32
      %broadcast_in_dim3A_86 = vector.broadcast %jit3A : f32 to vector<16xf32>
      %select_n3A = arith.select %gt3A_85, %add3A_83, %broadcast_in_dim3A_86 : vector<16xi1>, vector<16xf32>
      %jit3A_87 = arith.constant 0.000000e+00 : f32
      %broadcast_in_dim3A_88 = vector.broadcast %jit3A_87 : f32 to vector<16xf32>
      %select_n3A_89 = arith.select %ge3A_50, %select_n3A, %broadcast_in_dim3A_88 : vector<16xi1>, vector<16xf32>
      %add3A_90 = arith.addf %scan3A_32, %select_n3A_89 : vector<16xf32>
      %jit3A_91 = arith.constant 0.000000e+00 : f32
      %broadcast_in_dim3A_92 = vector.broadcast %jit3A_91 : f32 to vector<16xf32>
      %select_n3A_93 = arith.select %ge3A_50, %broadcast_in_dim3A_92, %select_n3A : vector<16xi1>, vector<16xf32>
      %add3A_94 = arith.addf %scan3A_36, %select_n3A_93 : vector<16xf32>
      %jit3A_95 = arith.constant 1.000000e+00 : f32
      %jit3A_96 = arith.constant 0.000000e+00 : f32
      %broadcast_in_dim3A_97 = vector.broadcast %jit3A_95 : f32 to vector<16xf32>
      %broadcast_in_dim3A_98 = vector.broadcast %jit3A_96 : f32 to vector<16xf32>
      %select_n3A_99 = arith.select %ge3A_50, %broadcast_in_dim3A_97, %broadcast_in_dim3A_98 : vector<16xi1>, vector<16xf32>
      %add3A_100 = arith.addf %scan3A_40, %select_n3A_99 : vector<16xf32>
      %add3A_101 = arith.constant 16 : i32
      %add3A_102 = arith.addi %mul3A_45, %add3A_101 : i32
      %get3A_103 = arith.index_cast %add3A_102 : i32 to index
      %get3A_104 = tpu.vector_load %arg4[%get3A_103] {strides = array<i32>} : memref<12800xf32, #tpu.memory_space<vmem>>, vector<16xf32>,
      %ge3A_105 = arith.constant 0.000000e+00 : f32
      %ge3A_106 = vector.broadcast %ge3A_105 : f32 to vector<16xf32>
      %ge3A_107 = arith.cmpf oge, %get3A_104, %ge3A_106 : vector<16xf32>
      %abs3A_108 = math.absf %get3A_104 : vector<16xf32>
      %bitcast3A_109 = vector.bitcast %abs3A_108 : vector<16xf32> to vector<16xi32>
      %shift_right_arithmetic3A_110 = arith.constant 23 : i32
      %shift_right_arithmetic3A_111 = vector.broadcast %shift_right_arithmetic3A_110 : i32 to vector<16xi32>
      %shift_right_arithmetic3A_112 = arith.shrsi %bitcast3A_109, %shift_right_arithmetic3A_111 : vector<16xi32>
      %and3A_113 = arith.constant 8388607 : i32
      %and3A_114 = vector.broadcast %and3A_113 : i32 to vector<16xi32>
      %and3A_115 = arith.andi %bitcast3A_109, %and3A_114 : vector<16xi32>
      %or3A_116 = arith.constant 1065353216 : i32
      %or3A_117 = vector.broadcast %or3A_116 : i32 to vector<16xi32>
      %or3A_118 = arith.ori %and3A_115, %or3A_117 : vector<16xi32>
      %bitcast3A_119 = vector.bitcast %or3A_118 : vector<16xi32> to vector<16xf32>
      %convert_element_type3A_120 = arith.sitofp %shift_right_arithmetic3A_112 : vector<16xi32> to vector<16xf32>
      %mul3A_121 = arith.constant 3.044900e-02 : f32
      %mul3A_122 = vector.broadcast %mul3A_121 : f32 to vector<16xf32>
      %mul3A_123 = arith.mulf %mul3A_122, %bitcast3A_119 : vector<16xf32>
      %add3A_124 = arith.constant -0.283826858 : f32
      %add3A_125 = vector.broadcast %add3A_124 : f32 to vector<16xf32>
      %add3A_126 = arith.addf %mul3A_123, %add3A_125 : vector<16xf32>
      %mul3A_127 = arith.mulf %add3A_126, %bitcast3A_119 : vector<16xf32>
      %add3A_128 = arith.constant 1.116090e+00 : f32
      %add3A_129 = vector.broadcast %add3A_128 : f32 to vector<16xf32>
      %add3A_130 = arith.addf %mul3A_127, %add3A_129 : vector<16xf32>
      %mul3A_131 = arith.mulf %add3A_130, %bitcast3A_119 : vector<16xf32>
      %add3A_132 = arith.constant -2.44002986 : f32
      %add3A_133 = vector.broadcast %add3A_132 : f32 to vector<16xf32>
      %add3A_134 = arith.addf %mul3A_131, %add3A_133 : vector<16xf32>
      %mul3A_135 = arith.mulf %add3A_134, %bitcast3A_119 : vector<16xf32>
      %add3A_136 = arith.constant 3.5140872 : f32
      %add3A_137 = vector.broadcast %add3A_136 : f32 to vector<16xf32>
      %add3A_138 = arith.addf %mul3A_135, %add3A_137 : vector<16xf32>
      %mul3A_139 = arith.mulf %add3A_138, %bitcast3A_119 : vector<16xf32>
      %add3A_140 = arith.constant -89.9664536 : f32
      %add3A_141 = vector.broadcast %add3A_140 : f32 to vector<16xf32>
      %add3A_142 = arith.addf %mul3A_139, %add3A_141 : vector<16xf32>
      %mul3A_143 = arith.constant 0.693147182 : f32
      %mul3A_144 = vector.broadcast %mul3A_143 : f32 to vector<16xf32>
      %mul3A_145 = arith.mulf %convert_element_type3A_120, %mul3A_144 : vector<16xf32>
      %add3A_146 = arith.addf %mul3A_145, %add3A_142 : vector<16xf32>
      %gt3A_147 = arith.constant 0.000000e+00 : f32
      %gt3A_148 = vector.broadcast %gt3A_147 : f32 to vector<16xf32>
      %gt3A_149 = arith.cmpf ogt, %abs3A_108, %gt3A_148 : vector<16xf32>
      %jit3A_150 = arith.constant 0xFF800000 : f32
      %broadcast_in_dim3A_151 = vector.broadcast %jit3A_150 : f32 to vector<16xf32>
      %select_n3A_152 = arith.select %gt3A_149, %add3A_146, %broadcast_in_dim3A_151 : vector<16xi1>, vector<16xf32>
      %jit3A_153 = arith.constant 0.000000e+00 : f32
      %broadcast_in_dim3A_154 = vector.broadcast %jit3A_153 : f32 to vector<16xf32>
      %select_n3A_155 = arith.select %ge3A_107, %select_n3A_152, %broadcast_in_dim3A_154 : vector<16xi1>, vector<16xf32>
      %add3A_156 = arith.addf %scan3A_33, %select_n3A_155 : vector<16xf32>
      %jit3A_157 = arith.constant 0.000000e+00 : f32
      %broadcast_in_dim3A_158 = vector.broadcast %jit3A_157 : f32 to vector<16xf32>
      %select_n3A_159 = arith.select %ge3A_107, %broadcast_in_dim3A_158, %select_n3A_152 : vector<16xi1>, vector<16xf32>
      %add3A_160 = arith.addf %scan3A_37, %select_n3A_159 : vector<16xf32>
      %jit3A_161 = arith.constant 1.000000e+00 : f32
      %jit3A_162 = arith.constant 0.000000e+00 : f32
      %broadcast_in_dim3A_163 = vector.broadcast %jit3A_161 : f32 to vector<16xf32>
      %broadcast_in_dim3A_164 = vector.broadcast %jit3A_162 : f32 to vector<16xf32>
      %select_n3A_165 = arith.select %ge3A_107, %broadcast_in_dim3A_163, %broadcast_in_dim3A_164 : vector<16xi1>, vector<16xf32>
      %add3A_166 = arith.addf %scan3A_41, %select_n3A_165 : vector<16xf32>
      %add3A_167 = arith.constant 32 : i32
      %add3A_168 = arith.addi %mul3A_45, %add3A_167 : i32
      %get3A_169 = arith.index_cast %add3A_168 : i32 to index
      %get3A_170 = tpu.vector_load %arg4[%get3A_169] {strides = array<i32>} : memref<12800xf32, #tpu.memory_space<vmem>>, vector<16xf32>,
      %ge3A_171 = arith.constant 0.000000e+00 : f32
      %ge3A_172 = vector.broadcast %ge3A_171 : f32 to vector<16xf32>
      %ge3A_173 = arith.cmpf oge, %get3A_170, %ge3A_172 : vector<16xf32>
      %abs3A_174 = math.absf %get3A_170 : vector<16xf32>
      %bitcast3A_175 = vector.bitcast %abs3A_174 : vector<16xf32> to vector<16xi32>
      %shift_right_arithmetic3A_176 = arith.constant 23 : i32
      %shift_right_arithmetic3A_177 = vector.broadcast %shift_right_arithmetic3A_176 : i32 to vector<16xi32>
      %shift_right_arithmetic3A_178 = arith.shrsi %bitcast3A_175, %shift_right_arithmetic3A_177 : vector<16xi32>
      %and3A_179 = arith.constant 8388607 : i32
      %and3A_180 = vector.broadcast %and3A_179 : i32 to vector<16xi32>
      %and3A_181 = arith.andi %bitcast3A_175, %and3A_180 : vector<16xi32>
      %or3A_182 = arith.constant 1065353216 : i32
      %or3A_183 = vector.broadcast %or3A_182 : i32 to vector<16xi32>
      %or3A_184 = arith.ori %and3A_181, %or3A_183 : vector<16xi32>
      %bitcast3A_185 = vector.bitcast %or3A_184 : vector<16xi32> to vector<16xf32>
      %convert_element_type3A_186 = arith.sitofp %shift_right_arithmetic3A_178 : vector<16xi32> to vector<16xf32>
      %mul3A_187 = arith.constant 3.044900e-02 : f32
      %mul3A_188 = vector.broadcast %mul3A_187 : f32 to vector<16xf32>
      %mul3A_189 = arith.mulf %mul3A_188, %bitcast3A_185 : vector<16xf32>
      %add3A_190 = arith.constant -0.283826858 : f32
      %add3A_191 = vector.broadcast %add3A_190 : f32 to vector<16xf32>
      %add3A_192 = arith.addf %mul3A_189, %add3A_191 : vector<16xf32>
      %mul3A_193 = arith.mulf %add3A_192, %bitcast3A_185 : vector<16xf32>
      %add3A_194 = arith.constant 1.116090e+00 : f32
      %add3A_195 = vector.broadcast %add3A_194 : f32 to vector<16xf32>
      %add3A_196 = arith.addf %mul3A_193, %add3A_195 : vector<16xf32>
      %mul3A_197 = arith.mulf %add3A_196, %bitcast3A_185 : vector<16xf32>
      %add3A_198 = arith.constant -2.44002986 : f32
      %add3A_199 = vector.broadcast %add3A_198 : f32 to vector<16xf32>
      %add3A_200 = arith.addf %mul3A_197, %add3A_199 : vector<16xf32>
      %mul3A_201 = arith.mulf %add3A_200, %bitcast3A_185 : vector<16xf32>
      %add3A_202 = arith.constant 3.5140872 : f32
      %add3A_203 = vector.broadcast %add3A_202 : f32 to vector<16xf32>
      %add3A_204 = arith.addf %mul3A_201, %add3A_203 : vector<16xf32>
      %mul3A_205 = arith.mulf %add3A_204, %bitcast3A_185 : vector<16xf32>
      %add3A_206 = arith.constant -89.9664536 : f32
      %add3A_207 = vector.broadcast %add3A_206 : f32 to vector<16xf32>
      %add3A_208 = arith.addf %mul3A_205, %add3A_207 : vector<16xf32>
      %mul3A_209 = arith.constant 0.693147182 : f32
      %mul3A_210 = vector.broadcast %mul3A_209 : f32 to vector<16xf32>
      %mul3A_211 = arith.mulf %convert_element_type3A_186, %mul3A_210 : vector<16xf32>
      %add3A_212 = arith.addf %mul3A_211, %add3A_208 : vector<16xf32>
      %gt3A_213 = arith.constant 0.000000e+00 : f32
      %gt3A_214 = vector.broadcast %gt3A_213 : f32 to vector<16xf32>
      %gt3A_215 = arith.cmpf ogt, %abs3A_174, %gt3A_214 : vector<16xf32>
      %jit3A_216 = arith.constant 0xFF800000 : f32
      %broadcast_in_dim3A_217 = vector.broadcast %jit3A_216 : f32 to vector<16xf32>
      %select_n3A_218 = arith.select %gt3A_215, %add3A_212, %broadcast_in_dim3A_217 : vector<16xi1>, vector<16xf32>
      %jit3A_219 = arith.constant 0.000000e+00 : f32
      %broadcast_in_dim3A_220 = vector.broadcast %jit3A_219 : f32 to vector<16xf32>
      %select_n3A_221 = arith.select %ge3A_173, %select_n3A_218, %broadcast_in_dim3A_220 : vector<16xi1>, vector<16xf32>
      %add3A_222 = arith.addf %scan3A_34, %select_n3A_221 : vector<16xf32>
      %jit3A_223 = arith.constant 0.000000e+00 : f32
      %broadcast_in_dim3A_224 = vector.broadcast %jit3A_223 : f32 to vector<16xf32>
      %select_n3A_225 = arith.select %ge3A_173, %broadcast_in_dim3A_224, %select_n3A_218 : vector<16xi1>, vector<16xf32>
      %add3A_226 = arith.addf %scan3A_38, %select_n3A_225 : vector<16xf32>
      %jit3A_227 = arith.constant 1.000000e+00 : f32
      %jit3A_228 = arith.constant 0.000000e+00 : f32
      %broadcast_in_dim3A_229 = vector.broadcast %jit3A_227 : f32 to vector<16xf32>
      %broadcast_in_dim3A_230 = vector.broadcast %jit3A_228 : f32 to vector<16xf32>
      %select_n3A_231 = arith.select %ge3A_173, %broadcast_in_dim3A_229, %broadcast_in_dim3A_230 : vector<16xi1>, vector<16xf32>
      %add3A_232 = arith.addf %scan3A_42, %select_n3A_231 : vector<16xf32>
      %add3A_233 = arith.constant 48 : i32
      %add3A_234 = arith.addi %mul3A_45, %add3A_233 : i32
      %get3A_235 = arith.index_cast %add3A_234 : i32 to index
      %get3A_236 = tpu.vector_load %arg4[%get3A_235] {strides = array<i32>} : memref<12800xf32, #tpu.memory_space<vmem>>, vector<16xf32>,
      %ge3A_237 = arith.constant 0.000000e+00 : f32
      %ge3A_238 = vector.broadcast %ge3A_237 : f32 to vector<16xf32>
      %ge3A_239 = arith.cmpf oge, %get3A_236, %ge3A_238 : vector<16xf32>
      %abs3A_240 = math.absf %get3A_236 : vector<16xf32>
      %bitcast3A_241 = vector.bitcast %abs3A_240 : vector<16xf32> to vector<16xi32>
      %shift_right_arithmetic3A_242 = arith.constant 23 : i32
      %shift_right_arithmetic3A_243 = vector.broadcast %shift_right_arithmetic3A_242 : i32 to vector<16xi32>
      %shift_right_arithmetic3A_244 = arith.shrsi %bitcast3A_241, %shift_right_arithmetic3A_243 : vector<16xi32>
      %and3A_245 = arith.constant 8388607 : i32
      %and3A_246 = vector.broadcast %and3A_245 : i32 to vector<16xi32>
      %and3A_247 = arith.andi %bitcast3A_241, %and3A_246 : vector<16xi32>
      %or3A_248 = arith.constant 1065353216 : i32
      %or3A_249 = vector.broadcast %or3A_248 : i32 to vector<16xi32>
      %or3A_250 = arith.ori %and3A_247, %or3A_249 : vector<16xi32>
      %bitcast3A_251 = vector.bitcast %or3A_250 : vector<16xi32> to vector<16xf32>
      %convert_element_type3A_252 = arith.sitofp %shift_right_arithmetic3A_244 : vector<16xi32> to vector<16xf32>
      %mul3A_253 = arith.constant 3.044900e-02 : f32
      %mul3A_254 = vector.broadcast %mul3A_253 : f32 to vector<16xf32>
      %mul3A_255 = arith.mulf %mul3A_254, %bitcast3A_251 : vector<16xf32>
      %add3A_256 = arith.constant -0.283826858 : f32
      %add3A_257 = vector.broadcast %add3A_256 : f32 to vector<16xf32>
      %add3A_258 = arith.addf %mul3A_255, %add3A_257 : vector<16xf32>
      %mul3A_259 = arith.mulf %add3A_258, %bitcast3A_251 : vector<16xf32>
      %add3A_260 = arith.constant 1.116090e+00 : f32
      %add3A_261 = vector.broadcast %add3A_260 : f32 to vector<16xf32>
      %add3A_262 = arith.addf %mul3A_259, %add3A_261 : vector<16xf32>
      %mul3A_263 = arith.mulf %add3A_262, %bitcast3A_251 : vector<16xf32>
      %add3A_264 = arith.constant -2.44002986 : f32
      %add3A_265 = vector.broadcast %add3A_264 : f32 to vector<16xf32>
      %add3A_266 = arith.addf %mul3A_263, %add3A_265 : vector<16xf32>
      %mul3A_267 = arith.mulf %add3A_266, %bitcast3A_251 : vector<16xf32>
      %add3A_268 = arith.constant 3.5140872 : f32
      %add3A_269 = vector.broadcast %add3A_268 : f32 to vector<16xf32>
      %add3A_270 = arith.addf %mul3A_267, %add3A_269 : vector<16xf32>
      %mul3A_271 = arith.mulf %add3A_270, %bitcast3A_251 : vector<16xf32>
      %add3A_272 = arith.constant -89.9664536 : f32
      %add3A_273 = vector.broadcast %add3A_272 : f32 to vector<16xf32>
      %add3A_274 = arith.addf %mul3A_271, %add3A_273 : vector<16xf32>
      %mul3A_275 = arith.constant 0.693147182 : f32
      %mul3A_276 = vector.broadcast %mul3A_275 : f32 to vector<16xf32>
      %mul3A_277 = arith.mulf %convert_element_type3A_252, %mul3A_276 : vector<16xf32>
      %add3A_278 = arith.addf %mul3A_277, %add3A_274 : vector<16xf32>
      %gt3A_279 = arith.constant 0.000000e+00 : f32
      %gt3A_280 = vector.broadcast %gt3A_279 : f32 to vector<16xf32>
      %gt3A_281 = arith.cmpf ogt, %abs3A_240, %gt3A_280 : vector<16xf32>
      %jit3A_282 = arith.constant 0xFF800000 : f32
      %broadcast_in_dim3A_283 = vector.broadcast %jit3A_282 : f32 to vector<16xf32>
      %select_n3A_284 = arith.select %gt3A_281, %add3A_278, %broadcast_in_dim3A_283 : vector<16xi1>, vector<16xf32>
      %jit3A_285 = arith.constant 0.000000e+00 : f32
      %broadcast_in_dim3A_286 = vector.broadcast %jit3A_285 : f32 to vector<16xf32>
      %select_n3A_287 = arith.select %ge3A_239, %select_n3A_284, %broadcast_in_dim3A_286 : vector<16xi1>, vector<16xf32>
      %add3A_288 = arith.addf %scan3A_35, %select_n3A_287 : vector<16xf32>
      %jit3A_289 = arith.constant 0.000000e+00 : f32
      %broadcast_in_dim3A_290 = vector.broadcast %jit3A_289 : f32 to vector<16xf32>
      %select_n3A_291 = arith.select %ge3A_239, %broadcast_in_dim3A_290, %select_n3A_284 : vector<16xi1>, vector<16xf32>
      %add3A_292 = arith.addf %scan3A_39, %select_n3A_291 : vector<16xf32>
      %jit3A_293 = arith.constant 1.000000e+00 : f32
      %jit3A_294 = arith.constant 0.000000e+00 : f32
      %broadcast_in_dim3A_295 = vector.broadcast %jit3A_293 : f32 to vector<16xf32>
      %broadcast_in_dim3A_296 = vector.broadcast %jit3A_294 : f32 to vector<16xf32>
      %select_n3A_297 = arith.select %ge3A_239, %broadcast_in_dim3A_295, %broadcast_in_dim3A_296 : vector<16xi1>, vector<16xf32>
      %add3A_298 = arith.addf %scan3A_43, %select_n3A_297 : vector<16xf32>
      %scan3A_299 = arith.constant 1 : i32
      %scan3A_300 = arith.addi %scan3A_31, %scan3A_299 : i32
      %mul3A_301 = arith.constant 64 : i32
      %mul3A_302 = arith.muli %scan3A_300, %mul3A_301 : i32
      %add3A_303 = arith.constant 0 : i32
      %add3A_304 = arith.addi %mul3A_302, %add3A_303 : i32
      %get3A_305 = arith.index_cast %add3A_304 : i32 to index
      %get3A_306 = tpu.vector_load %arg4[%get3A_305] {strides = array<i32>} : memref<12800xf32, #tpu.memory_space<vmem>>, vector<16xf32>,
      %ge3A_307 = arith.constant 0.000000e+00 : f32
      %ge3A_308 = vector.broadcast %ge3A_307 : f32 to vector<16xf32>
      %ge3A_309 = arith.cmpf oge, %get3A_306, %ge3A_308 : vector<16xf32>
      %abs3A_310 = math.absf %get3A_306 : vector<16xf32>
      %bitcast3A_311 = vector.bitcast %abs3A_310 : vector<16xf32> to vector<16xi32>
      %shift_right_arithmetic3A_312 = arith.constant 23 : i32
      %shift_right_arithmetic3A_313 = vector.broadcast %shift_right_arithmetic3A_312 : i32 to vector<16xi32>
      %shift_right_arithmetic3A_314 = arith.shrsi %bitcast3A_311, %shift_right_arithmetic3A_313 : vector<16xi32>
      %and3A_315 = arith.constant 8388607 : i32
      %and3A_316 = vector.broadcast %and3A_315 : i32 to vector<16xi32>
      %and3A_317 = arith.andi %bitcast3A_311, %and3A_316 : vector<16xi32>
      %or3A_318 = arith.constant 1065353216 : i32
      %or3A_319 = vector.broadcast %or3A_318 : i32 to vector<16xi32>
      %or3A_320 = arith.ori %and3A_317, %or3A_319 : vector<16xi32>
      %bitcast3A_321 = vector.bitcast %or3A_320 : vector<16xi32> to vector<16xf32>
      %convert_element_type3A_322 = arith.sitofp %shift_right_arithmetic3A_314 : vector<16xi32> to vector<16xf32>
      %mul3A_323 = arith.constant 3.044900e-02 : f32
      %mul3A_324 = vector.broadcast %mul3A_323 : f32 to vector<16xf32>
      %mul3A_325 = arith.mulf %mul3A_324, %bitcast3A_321 : vector<16xf32>
      %add3A_326 = arith.constant -0.283826858 : f32
      %add3A_327 = vector.broadcast %add3A_326 : f32 to vector<16xf32>
      %add3A_328 = arith.addf %mul3A_325, %add3A_327 : vector<16xf32>
      %mul3A_329 = arith.mulf %add3A_328, %bitcast3A_321 : vector<16xf32>
      %add3A_330 = arith.constant 1.116090e+00 : f32
      %add3A_331 = vector.broadcast %add3A_330 : f32 to vector<16xf32>
      %add3A_332 = arith.addf %mul3A_329, %add3A_331 : vector<16xf32>
      %mul3A_333 = arith.mulf %add3A_332, %bitcast3A_321 : vector<16xf32>
      %add3A_334 = arith.constant -2.44002986 : f32
      %add3A_335 = vector.broadcast %add3A_334 : f32 to vector<16xf32>
      %add3A_336 = arith.addf %mul3A_333, %add3A_335 : vector<16xf32>
      %mul3A_337 = arith.mulf %add3A_336, %bitcast3A_321 : vector<16xf32>
      %add3A_338 = arith.constant 3.5140872 : f32
      %add3A_339 = vector.broadcast %add3A_338 : f32 to vector<16xf32>
      %add3A_340 = arith.addf %mul3A_337, %add3A_339 : vector<16xf32>
      %mul3A_341 = arith.mulf %add3A_340, %bitcast3A_321 : vector<16xf32>
      %add3A_342 = arith.constant -89.9664536 : f32
      %add3A_343 = vector.broadcast %add3A_342 : f32 to vector<16xf32>
      %add3A_344 = arith.addf %mul3A_341, %add3A_343 : vector<16xf32>
      %mul3A_345 = arith.constant 0.693147182 : f32
      %mul3A_346 = vector.broadcast %mul3A_345 : f32 to vector<16xf32>
      %mul3A_347 = arith.mulf %convert_element_type3A_322, %mul3A_346 : vector<16xf32>
      %add3A_348 = arith.addf %mul3A_347, %add3A_344 : vector<16xf32>
      %gt3A_349 = arith.constant 0.000000e+00 : f32
      %gt3A_350 = vector.broadcast %gt3A_349 : f32 to vector<16xf32>
      %gt3A_351 = arith.cmpf ogt, %abs3A_310, %gt3A_350 : vector<16xf32>
      %jit3A_352 = arith.constant 0xFF800000 : f32
      %broadcast_in_dim3A_353 = vector.broadcast %jit3A_352 : f32 to vector<16xf32>
      %select_n3A_354 = arith.select %gt3A_351, %add3A_348, %broadcast_in_dim3A_353 : vector<16xi1>, vector<16xf32>
      %jit3A_355 = arith.constant 0.000000e+00 : f32
      %broadcast_in_dim3A_356 = vector.broadcast %jit3A_355 : f32 to vector<16xf32>
      %select_n3A_357 = arith.select %ge3A_309, %select_n3A_354, %broadcast_in_dim3A_356 : vector<16xi1>, vector<16xf32>
      %add3A_358 = arith.addf %add3A_90, %select_n3A_357 : vector<16xf32>
      %jit3A_359 = arith.constant 0.000000e+00 : f32
      %broadcast_in_dim3A_360 = vector.broadcast %jit3A_359 : f32 to vector<16xf32>
      %select_n3A_361 = arith.select %ge3A_309, %broadcast_in_dim3A_360, %select_n3A_354 : vector<16xi1>, vector<16xf32>
      %add3A_362 = arith.addf %add3A_94, %select_n3A_361 : vector<16xf32>
      %jit3A_363 = arith.constant 1.000000e+00 : f32
      %jit3A_364 = arith.constant 0.000000e+00 : f32
      %broadcast_in_dim3A_365 = vector.broadcast %jit3A_363 : f32 to vector<16xf32>
      %broadcast_in_dim3A_366 = vector.broadcast %jit3A_364 : f32 to vector<16xf32>
      %select_n3A_367 = arith.select %ge3A_309, %broadcast_in_dim3A_365, %broadcast_in_dim3A_366 : vector<16xi1>, vector<16xf32>
      %add3A_368 = arith.addf %add3A_100, %select_n3A_367 : vector<16xf32>
      %add3A_369 = arith.constant 16 : i32
      %add3A_370 = arith.addi %mul3A_302, %add3A_369 : i32
      %get3A_371 = arith.index_cast %add3A_370 : i32 to index
      %get3A_372 = tpu.vector_load %arg4[%get3A_371] {strides = array<i32>} : memref<12800xf32, #tpu.memory_space<vmem>>, vector<16xf32>,
      %ge3A_373 = arith.constant 0.000000e+00 : f32
      %ge3A_374 = vector.broadcast %ge3A_373 : f32 to vector<16xf32>
      %ge3A_375 = arith.cmpf oge, %get3A_372, %ge3A_374 : vector<16xf32>
      %abs3A_376 = math.absf %get3A_372 : vector<16xf32>
      %bitcast3A_377 = vector.bitcast %abs3A_376 : vector<16xf32> to vector<16xi32>
      %shift_right_arithmetic3A_378 = arith.constant 23 : i32
      %shift_right_arithmetic3A_379 = vector.broadcast %shift_right_arithmetic3A_378 : i32 to vector<16xi32>
      %shift_right_arithmetic3A_380 = arith.shrsi %bitcast3A_377, %shift_right_arithmetic3A_379 : vector<16xi32>
      %and3A_381 = arith.constant 8388607 : i32
      %and3A_382 = vector.broadcast %and3A_381 : i32 to vector<16xi32>
      %and3A_383 = arith.andi %bitcast3A_377, %and3A_382 : vector<16xi32>
      %or3A_384 = arith.constant 1065353216 : i32
      %or3A_385 = vector.broadcast %or3A_384 : i32 to vector<16xi32>
      %or3A_386 = arith.ori %and3A_383, %or3A_385 : vector<16xi32>
      %bitcast3A_387 = vector.bitcast %or3A_386 : vector<16xi32> to vector<16xf32>
      %convert_element_type3A_388 = arith.sitofp %shift_right_arithmetic3A_380 : vector<16xi32> to vector<16xf32>
      %mul3A_389 = arith.constant 3.044900e-02 : f32
      %mul3A_390 = vector.broadcast %mul3A_389 : f32 to vector<16xf32>
      %mul3A_391 = arith.mulf %mul3A_390, %bitcast3A_387 : vector<16xf32>
      %add3A_392 = arith.constant -0.283826858 : f32
      %add3A_393 = vector.broadcast %add3A_392 : f32 to vector<16xf32>
      %add3A_394 = arith.addf %mul3A_391, %add3A_393 : vector<16xf32>
      %mul3A_395 = arith.mulf %add3A_394, %bitcast3A_387 : vector<16xf32>
      %add3A_396 = arith.constant 1.116090e+00 : f32
      %add3A_397 = vector.broadcast %add3A_396 : f32 to vector<16xf32>
      %add3A_398 = arith.addf %mul3A_395, %add3A_397 : vector<16xf32>
      %mul3A_399 = arith.mulf %add3A_398, %bitcast3A_387 : vector<16xf32>
      %add3A_400 = arith.constant -2.44002986 : f32
      %add3A_401 = vector.broadcast %add3A_400 : f32 to vector<16xf32>
      %add3A_402 = arith.addf %mul3A_399, %add3A_401 : vector<16xf32>
      %mul3A_403 = arith.mulf %add3A_402, %bitcast3A_387 : vector<16xf32>
      %add3A_404 = arith.constant 3.5140872 : f32
      %add3A_405 = vector.broadcast %add3A_404 : f32 to vector<16xf32>
      %add3A_406 = arith.addf %mul3A_403, %add3A_405 : vector<16xf32>
      %mul3A_407 = arith.mulf %add3A_406, %bitcast3A_387 : vector<16xf32>
      %add3A_408 = arith.constant -89.9664536 : f32
      %add3A_409 = vector.broadcast %add3A_408 : f32 to vector<16xf32>
      %add3A_410 = arith.addf %mul3A_407, %add3A_409 : vector<16xf32>
      %mul3A_411 = arith.constant 0.693147182 : f32
      %mul3A_412 = vector.broadcast %mul3A_411 : f32 to vector<16xf32>
      %mul3A_413 = arith.mulf %convert_element_type3A_388, %mul3A_412 : vector<16xf32>
      %add3A_414 = arith.addf %mul3A_413, %add3A_410 : vector<16xf32>
      %gt3A_415 = arith.constant 0.000000e+00 : f32
      %gt3A_416 = vector.broadcast %gt3A_415 : f32 to vector<16xf32>
      %gt3A_417 = arith.cmpf ogt, %abs3A_376, %gt3A_416 : vector<16xf32>
      %jit3A_418 = arith.constant 0xFF800000 : f32
      %broadcast_in_dim3A_419 = vector.broadcast %jit3A_418 : f32 to vector<16xf32>
      %select_n3A_420 = arith.select %gt3A_417, %add3A_414, %broadcast_in_dim3A_419 : vector<16xi1>, vector<16xf32>
      %jit3A_421 = arith.constant 0.000000e+00 : f32
      %broadcast_in_dim3A_422 = vector.broadcast %jit3A_421 : f32 to vector<16xf32>
      %select_n3A_423 = arith.select %ge3A_375, %select_n3A_420, %broadcast_in_dim3A_422 : vector<16xi1>, vector<16xf32>
      %add3A_424 = arith.addf %add3A_156, %select_n3A_423 : vector<16xf32>
      %jit3A_425 = arith.constant 0.000000e+00 : f32
      %broadcast_in_dim3A_426 = vector.broadcast %jit3A_425 : f32 to vector<16xf32>
      %select_n3A_427 = arith.select %ge3A_375, %broadcast_in_dim3A_426, %select_n3A_420 : vector<16xi1>, vector<16xf32>
      %add3A_428 = arith.addf %add3A_160, %select_n3A_427 : vector<16xf32>
      %jit3A_429 = arith.constant 1.000000e+00 : f32
      %jit3A_430 = arith.constant 0.000000e+00 : f32
      %broadcast_in_dim3A_431 = vector.broadcast %jit3A_429 : f32 to vector<16xf32>
      %broadcast_in_dim3A_432 = vector.broadcast %jit3A_430 : f32 to vector<16xf32>
      %select_n3A_433 = arith.select %ge3A_375, %broadcast_in_dim3A_431, %broadcast_in_dim3A_432 : vector<16xi1>, vector<16xf32>
      %add3A_434 = arith.addf %add3A_166, %select_n3A_433 : vector<16xf32>
      %add3A_435 = arith.constant 32 : i32
      %add3A_436 = arith.addi %mul3A_302, %add3A_435 : i32
      %get3A_437 = arith.index_cast %add3A_436 : i32 to index
      %get3A_438 = tpu.vector_load %arg4[%get3A_437] {strides = array<i32>} : memref<12800xf32, #tpu.memory_space<vmem>>, vector<16xf32>,
      %ge3A_439 = arith.constant 0.000000e+00 : f32
      %ge3A_440 = vector.broadcast %ge3A_439 : f32 to vector<16xf32>
      %ge3A_441 = arith.cmpf oge, %get3A_438, %ge3A_440 : vector<16xf32>
      %abs3A_442 = math.absf %get3A_438 : vector<16xf32>
      %bitcast3A_443 = vector.bitcast %abs3A_442 : vector<16xf32> to vector<16xi32>
      %shift_right_arithmetic3A_444 = arith.constant 23 : i32
      %shift_right_arithmetic3A_445 = vector.broadcast %shift_right_arithmetic3A_444 : i32 to vector<16xi32>
      %shift_right_arithmetic3A_446 = arith.shrsi %bitcast3A_443, %shift_right_arithmetic3A_445 : vector<16xi32>
      %and3A_447 = arith.constant 8388607 : i32
      %and3A_448 = vector.broadcast %and3A_447 : i32 to vector<16xi32>
      %and3A_449 = arith.andi %bitcast3A_443, %and3A_448 : vector<16xi32>
      %or3A_450 = arith.constant 1065353216 : i32
      %or3A_451 = vector.broadcast %or3A_450 : i32 to vector<16xi32>
      %or3A_452 = arith.ori %and3A_449, %or3A_451 : vector<16xi32>
      %bitcast3A_453 = vector.bitcast %or3A_452 : vector<16xi32> to vector<16xf32>
      %convert_element_type3A_454 = arith.sitofp %shift_right_arithmetic3A_446 : vector<16xi32> to vector<16xf32>
      %mul3A_455 = arith.constant 3.044900e-02 : f32
      %mul3A_456 = vector.broadcast %mul3A_455 : f32 to vector<16xf32>
      %mul3A_457 = arith.mulf %mul3A_456, %bitcast3A_453 : vector<16xf32>
      %add3A_458 = arith.constant -0.283826858 : f32
      %add3A_459 = vector.broadcast %add3A_458 : f32 to vector<16xf32>
      %add3A_460 = arith.addf %mul3A_457, %add3A_459 : vector<16xf32>
      %mul3A_461 = arith.mulf %add3A_460, %bitcast3A_453 : vector<16xf32>
      %add3A_462 = arith.constant 1.116090e+00 : f32
      %add3A_463 = vector.broadcast %add3A_462 : f32 to vector<16xf32>
      %add3A_464 = arith.addf %mul3A_461, %add3A_463 : vector<16xf32>
      %mul3A_465 = arith.mulf %add3A_464, %bitcast3A_453 : vector<16xf32>
      %add3A_466 = arith.constant -2.44002986 : f32
      %add3A_467 = vector.broadcast %add3A_466 : f32 to vector<16xf32>
      %add3A_468 = arith.addf %mul3A_465, %add3A_467 : vector<16xf32>
      %mul3A_469 = arith.mulf %add3A_468, %bitcast3A_453 : vector<16xf32>
      %add3A_470 = arith.constant 3.5140872 : f32
      %add3A_471 = vector.broadcast %add3A_470 : f32 to vector<16xf32>
      %add3A_472 = arith.addf %mul3A_469, %add3A_471 : vector<16xf32>
      %mul3A_473 = arith.mulf %add3A_472, %bitcast3A_453 : vector<16xf32>
      %add3A_474 = arith.constant -89.9664536 : f32
      %add3A_475 = vector.broadcast %add3A_474 : f32 to vector<16xf32>
      %add3A_476 = arith.addf %mul3A_473, %add3A_475 : vector<16xf32>
      %mul3A_477 = arith.constant 0.693147182 : f32
      %mul3A_478 = vector.broadcast %mul3A_477 : f32 to vector<16xf32>
      %mul3A_479 = arith.mulf %convert_element_type3A_454, %mul3A_478 : vector<16xf32>
      %add3A_480 = arith.addf %mul3A_479, %add3A_476 : vector<16xf32>
      %gt3A_481 = arith.constant 0.000000e+00 : f32
      %gt3A_482 = vector.broadcast %gt3A_481 : f32 to vector<16xf32>
      %gt3A_483 = arith.cmpf ogt, %abs3A_442, %gt3A_482 : vector<16xf32>
      %jit3A_484 = arith.constant 0xFF800000 : f32
      %broadcast_in_dim3A_485 = vector.broadcast %jit3A_484 : f32 to vector<16xf32>
      %select_n3A_486 = arith.select %gt3A_483, %add3A_480, %broadcast_in_dim3A_485 : vector<16xi1>, vector<16xf32>
      %jit3A_487 = arith.constant 0.000000e+00 : f32
      %broadcast_in_dim3A_488 = vector.broadcast %jit3A_487 : f32 to vector<16xf32>
      %select_n3A_489 = arith.select %ge3A_441, %select_n3A_486, %broadcast_in_dim3A_488 : vector<16xi1>, vector<16xf32>
      %add3A_490 = arith.addf %add3A_222, %select_n3A_489 : vector<16xf32>
      %jit3A_491 = arith.constant 0.000000e+00 : f32
      %broadcast_in_dim3A_492 = vector.broadcast %jit3A_491 : f32 to vector<16xf32>
      %select_n3A_493 = arith.select %ge3A_441, %broadcast_in_dim3A_492, %select_n3A_486 : vector<16xi1>, vector<16xf32>
      %add3A_494 = arith.addf %add3A_226, %select_n3A_493 : vector<16xf32>
      %jit3A_495 = arith.constant 1.000000e+00 : f32
      %jit3A_496 = arith.constant 0.000000e+00 : f32
      %broadcast_in_dim3A_497 = vector.broadcast %jit3A_495 : f32 to vector<16xf32>
      %broadcast_in_dim3A_498 = vector.broadcast %jit3A_496 : f32 to vector<16xf32>
      %select_n3A_499 = arith.select %ge3A_441, %broadcast_in_dim3A_497, %broadcast_in_dim3A_498 : vector<16xi1>, vector<16xf32>
      %add3A_500 = arith.addf %add3A_232, %select_n3A_499 : vector<16xf32>
      %add3A_501 = arith.constant 48 : i32
      %add3A_502 = arith.addi %mul3A_302, %add3A_501 : i32
      %get3A_503 = arith.index_cast %add3A_502 : i32 to index
      %get3A_504 = tpu.vector_load %arg4[%get3A_503] {strides = array<i32>} : memref<12800xf32, #tpu.memory_space<vmem>>, vector<16xf32>,
      %ge3A_505 = arith.constant 0.000000e+00 : f32
      %ge3A_506 = vector.broadcast %ge3A_505 : f32 to vector<16xf32>
      %ge3A_507 = arith.cmpf oge, %get3A_504, %ge3A_506 : vector<16xf32>
      %abs3A_508 = math.absf %get3A_504 : vector<16xf32>
      %bitcast3A_509 = vector.bitcast %abs3A_508 : vector<16xf32> to vector<16xi32>
      %shift_right_arithmetic3A_510 = arith.constant 23 : i32
      %shift_right_arithmetic3A_511 = vector.broadcast %shift_right_arithmetic3A_510 : i32 to vector<16xi32>
      %shift_right_arithmetic3A_512 = arith.shrsi %bitcast3A_509, %shift_right_arithmetic3A_511 : vector<16xi32>
      %and3A_513 = arith.constant 8388607 : i32
      %and3A_514 = vector.broadcast %and3A_513 : i32 to vector<16xi32>
      %and3A_515 = arith.andi %bitcast3A_509, %and3A_514 : vector<16xi32>
      %or3A_516 = arith.constant 1065353216 : i32
      %or3A_517 = vector.broadcast %or3A_516 : i32 to vector<16xi32>
      %or3A_518 = arith.ori %and3A_515, %or3A_517 : vector<16xi32>
      %bitcast3A_519 = vector.bitcast %or3A_518 : vector<16xi32> to vector<16xf32>
      %convert_element_type3A_520 = arith.sitofp %shift_right_arithmetic3A_512 : vector<16xi32> to vector<16xf32>
      %mul3A_521 = arith.constant 3.044900e-02 : f32
      %mul3A_522 = vector.broadcast %mul3A_521 : f32 to vector<16xf32>
      %mul3A_523 = arith.mulf %mul3A_522, %bitcast3A_519 : vector<16xf32>
      %add3A_524 = arith.constant -0.283826858 : f32
      %add3A_525 = vector.broadcast %add3A_524 : f32 to vector<16xf32>
      %add3A_526 = arith.addf %mul3A_523, %add3A_525 : vector<16xf32>
      %mul3A_527 = arith.mulf %add3A_526, %bitcast3A_519 : vector<16xf32>
      %add3A_528 = arith.constant 1.116090e+00 : f32
      %add3A_529 = vector.broadcast %add3A_528 : f32 to vector<16xf32>
      %add3A_530 = arith.addf %mul3A_527, %add3A_529 : vector<16xf32>
      %mul3A_531 = arith.mulf %add3A_530, %bitcast3A_519 : vector<16xf32>
      %add3A_532 = arith.constant -2.44002986 : f32
      %add3A_533 = vector.broadcast %add3A_532 : f32 to vector<16xf32>
      %add3A_534 = arith.addf %mul3A_531, %add3A_533 : vector<16xf32>
      %mul3A_535 = arith.mulf %add3A_534, %bitcast3A_519 : vector<16xf32>
      %add3A_536 = arith.constant 3.5140872 : f32
      %add3A_537 = vector.broadcast %add3A_536 : f32 to vector<16xf32>
      %add3A_538 = arith.addf %mul3A_535, %add3A_537 : vector<16xf32>
      %mul3A_539 = arith.mulf %add3A_538, %bitcast3A_519 : vector<16xf32>
      %add3A_540 = arith.constant -89.9664536 : f32
      %add3A_541 = vector.broadcast %add3A_540 : f32 to vector<16xf32>
      %add3A_542 = arith.addf %mul3A_539, %add3A_541 : vector<16xf32>
      %mul3A_543 = arith.constant 0.693147182 : f32
      %mul3A_544 = vector.broadcast %mul3A_543 : f32 to vector<16xf32>
      %mul3A_545 = arith.mulf %convert_element_type3A_520, %mul3A_544 : vector<16xf32>
      %add3A_546 = arith.addf %mul3A_545, %add3A_542 : vector<16xf32>
      %gt3A_547 = arith.constant 0.000000e+00 : f32
      %gt3A_548 = vector.broadcast %gt3A_547 : f32 to vector<16xf32>
      %gt3A_549 = arith.cmpf ogt, %abs3A_508, %gt3A_548 : vector<16xf32>
      %jit3A_550 = arith.constant 0xFF800000 : f32
      %broadcast_in_dim3A_551 = vector.broadcast %jit3A_550 : f32 to vector<16xf32>
      %select_n3A_552 = arith.select %gt3A_549, %add3A_546, %broadcast_in_dim3A_551 : vector<16xi1>, vector<16xf32>
      %jit3A_553 = arith.constant 0.000000e+00 : f32
      %broadcast_in_dim3A_554 = vector.broadcast %jit3A_553 : f32 to vector<16xf32>
      %select_n3A_555 = arith.select %ge3A_507, %select_n3A_552, %broadcast_in_dim3A_554 : vector<16xi1>, vector<16xf32>
      %add3A_556 = arith.addf %add3A_288, %select_n3A_555 : vector<16xf32>
      %jit3A_557 = arith.constant 0.000000e+00 : f32
      %broadcast_in_dim3A_558 = vector.broadcast %jit3A_557 : f32 to vector<16xf32>
      %select_n3A_559 = arith.select %ge3A_507, %broadcast_in_dim3A_558, %select_n3A_552 : vector<16xi1>, vector<16xf32>
      %add3A_560 = arith.addf %add3A_292, %select_n3A_559 : vector<16xf32>
      %jit3A_561 = arith.constant 1.000000e+00 : f32
      %jit3A_562 = arith.constant 0.000000e+00 : f32
      %broadcast_in_dim3A_563 = vector.broadcast %jit3A_561 : f32 to vector<16xf32>
      %broadcast_in_dim3A_564 = vector.broadcast %jit3A_562 : f32 to vector<16xf32>
      %select_n3A_565 = arith.select %ge3A_507, %broadcast_in_dim3A_563, %broadcast_in_dim3A_564 : vector<16xi1>, vector<16xf32>
      %add3A_566 = arith.addf %add3A_298, %select_n3A_565 : vector<16xf32>
      scf.yield %add3A_358, %add3A_424, %add3A_490, %add3A_556, %add3A_362, %add3A_428, %add3A_494, %add3A_560, %add3A_368, %add3A_434, %add3A_500, %add3A_566 : vector<16xf32>, vector<16xf32>, vector<16xf32>, vector<16xf32>, vector<16xf32>, vector<16xf32>, vector<16xf32>, vector<16xf32>, vector<16xf32>, vector<16xf32>, vector<16xf32>, vector<16xf32>
    }
    %scan3A_10 = arith.constant 200 : i32
    %add3A_11 = arith.addf %scan3A_9#0, %scan3A_9#1 : vector<16xf32>
    %add3A_12 = arith.addf %scan3A_9#2, %scan3A_9#3 : vector<16xf32>
    %add3A_13 = arith.addf %add3A_11, %add3A_12 : vector<16xf32>
    %swap3A = arith.constant 0 : i32
    %swap3A_14 = arith.index_cast %swap3A : i32 to index
    %swap3A_15 = arith.constant 0 : index
    %swap3A_16 = tpu.vector_load %arg5[%swap3A_14, %swap3A_15] {strides = array<i32>} : memref<3x16xf32, #tpu.memory_space<vmem>>, vector<16xf32>,
    tpu.vector_store %arg5[%swap3A_14, %swap3A_15], %add3A_13 {strides = array<i32>} : memref<3x16xf32, #tpu.memory_space<vmem>>, vector<16xf32>,
    %add3A_17 = arith.addf %scan3A_9#4, %scan3A_9#5 : vector<16xf32>
    %add3A_18 = arith.addf %scan3A_9#6, %scan3A_9#7 : vector<16xf32>
    %add3A_19 = arith.addf %add3A_17, %add3A_18 : vector<16xf32>
    %swap3A_20 = arith.constant 1 : i32
    %swap3A_21 = arith.index_cast %swap3A_20 : i32 to index
    %swap3A_22 = arith.constant 0 : index
    %swap3A_23 = tpu.vector_load %arg5[%swap3A_21, %swap3A_22] {strides = array<i32>} : memref<3x16xf32, #tpu.memory_space<vmem>>, vector<16xf32>,
    tpu.vector_store %arg5[%swap3A_21, %swap3A_22], %add3A_19 {strides = array<i32>} : memref<3x16xf32, #tpu.memory_space<vmem>>, vector<16xf32>,
    %add3A_24 = arith.addf %scan3A_9#8, %scan3A_9#9 : vector<16xf32>
    %add3A_25 = arith.addf %scan3A_9#10, %scan3A_9#11 : vector<16xf32>
    %add3A_26 = arith.addf %add3A_24, %add3A_25 : vector<16xf32>
    %swap3A_27 = arith.constant 2 : i32
    %swap3A_28 = arith.index_cast %swap3A_27 : i32 to index
    %swap3A_29 = arith.constant 0 : index
    %swap3A_30 = tpu.vector_load %arg5[%swap3A_28, %swap3A_29] {strides = array<i32>} : memref<3x16xf32, #tpu.memory_space<vmem>>, vector<16xf32>,
    tpu.vector_store %arg5[%swap3A_28, %swap3A_29], %add3A_26 {strides = array<i32>} : memref<3x16xf32, #tpu.memory_space<vmem>>, vector<16xf32>,
    "tpu.region"() ({
      %run_scoped3A = tpu.sem_alloc : memref<!tpu.dma_semaphore, #tpu.memory_space<semaphore_mem>>
      %dma_start3A_31 = arith.constant 0 : i32
      %dma_start3A_32 = arith.constant 0 : i32
      %dma_start3A_33 = tpu.memref_slice %arg3[%add3A, %dma_start3A_31, %dma_start3A_32] : memref<32x3x16xf32, #tpu.memory_space<hbm>> -> memref<1x3x16xf32, #tpu.memory_space<hbm>>
      %dma_start3A_34 = tpu.memref_squeeze %dma_start3A_33 : memref<1x3x16xf32, #tpu.memory_space<hbm>> -> memref<3x16xf32, #tpu.memory_space<hbm>>
      %dma_start3A_35 = arith.constant 0 : i32
      %dma_start3A_36 = arith.constant 0 : i32
      %dma_start3A_37 = tpu.memref_slice %arg3[%add3A, %dma_start3A_35, %dma_start3A_36] : memref<32x3x16xf32, #tpu.memory_space<hbm>> -> memref<1x3x16xf32, #tpu.memory_space<hbm>>
      %dma_start3A_38 = tpu.memref_squeeze %dma_start3A_37 : memref<1x3x16xf32, #tpu.memory_space<hbm>> -> memref<3x16xf32, #tpu.memory_space<hbm>>
      tpu.enqueue_dma source(%arg5 : memref<3x16xf32, #tpu.memory_space<vmem>>) target(%dma_start3A_38 : memref<3x16xf32, #tpu.memory_space<hbm>>) target_semaphore(%run_scoped3A : memref<!tpu.dma_semaphore, #tpu.memory_space<semaphore_mem>>)
      %dma_wait3A_39 = arith.constant 0 : i32
      %dma_wait3A_40 = arith.constant 0 : i32
      %dma_wait3A_41 = tpu.memref_slice %arg3[%add3A, %dma_wait3A_39, %dma_wait3A_40] : memref<32x3x16xf32, #tpu.memory_space<hbm>> -> memref<1x3x16xf32, #tpu.memory_space<hbm>>
      %dma_wait3A_42 = tpu.memref_squeeze %dma_wait3A_41 : memref<1x3x16xf32, #tpu.memory_space<hbm>> -> memref<3x16xf32, #tpu.memory_space<hbm>>
      %dma_wait3A_43 = arith.constant 0 : i32
      %dma_wait3A_44 = arith.constant 0 : i32
      %dma_wait3A_45 = tpu.memref_slice %arg3[%add3A, %dma_wait3A_43, %dma_wait3A_44] : memref<32x3x16xf32, #tpu.memory_space<hbm>> -> memref<1x3x16xf32, #tpu.memory_space<hbm>>
      %dma_wait3A_46 = tpu.memref_squeeze %dma_wait3A_45 : memref<1x3x16xf32, #tpu.memory_space<hbm>> -> memref<3x16xf32, #tpu.memory_space<hbm>>
      tpu.wait_dma2 semaphore(%run_scoped3A : memref<!tpu.dma_semaphore, #tpu.memory_space<semaphore_mem>>) src(%arg5 : memref<3x16xf32, #tpu.memory_space<vmem>>) dst(%dma_wait3A_46 : memref<3x16xf32, #tpu.memory_space<hbm>>)
      tpu.yield
    }) : () -> ()
    return
  }
}

module attributes {stable_mosaic.version = 14 : i64} {
  func.func @_tc_body(%arg0: i32, %arg1: memref<200x2048xf32, #tpu.memory_space<vmem>>, %arg2: memref<200x2048xi8, #tpu.memory_space<vmem>>, %arg3: memref<1x3xf32, #tpu.memory_space<smem>>) attributes {dimension_semantics = [#tpu.dimension_semantics<arbitrary>], iteration_bounds = array<i64: 7>, scalar_prefetch = 0 : i64, scratch_operands = 0 : i64, tpu.core_type = #tpu.core_type<tc>, window_params = [{transform_indices = @transform_0, window_bounds = array<i64: 200, 2048>}, {transform_indices = @transform_1, window_bounds = array<i64: 200, 2048>}, {transform_indices = @transform_2, window_bounds = array<i64: 1, 3>}]} {
    %get3A = arith.constant 0 : index
    %get3A_0 = arith.constant 0 : index
    %get3A_1 = vector.load %arg1[%get3A, %get3A_0] : memref<200x2048xf32, #tpu.memory_space<vmem>>, vector<200x2048xf32>
    %get3A_2 = arith.constant 0 : index
    %get3A_3 = arith.constant 0 : index
    %get3A_4 = vector.load %arg2[%get3A_2, %get3A_3] : memref<200x2048xi8, #tpu.memory_space<vmem>>, vector<200x2048xi8>
    %convert_element_type3A = arith.uitofp %get3A_4 : vector<200x2048xi8> to vector<200x2048xf32>
    %sub3A = arith.constant 1.000000e+00 : f32
    %sub3A_5 = vector.broadcast %sub3A : f32 to vector<200x2048xf32>
    %sub3A_6 = arith.subf %sub3A_5, %get3A_1 : vector<200x2048xf32>
    %add3A = arith.addf %get3A_1, %get3A_1 : vector<200x2048xf32>
    %sub3A_7 = arith.constant 1.000000e+00 : f32
    %sub3A_8 = vector.broadcast %sub3A_7 : f32 to vector<200x2048xf32>
    %sub3A_9 = arith.subf %add3A, %sub3A_8 : vector<200x2048xf32>
    %mul3A = arith.mulf %convert_element_type3A, %sub3A_9 : vector<200x2048xf32>
    %add3A_10 = arith.addf %sub3A_6, %mul3A : vector<200x2048xf32>
    %log3A = math.log %add3A_10 : vector<200x2048xf32>
    %log3A_11 = arith.constant 2.000000e+00 : f32
    %log3A_12 = math.log %log3A_11 : f32
    %div3A = vector.broadcast %log3A_12 : f32 to vector<200x2048xf32>
    %div3A_13 = arith.divf %log3A, %div3A : vector<200x2048xf32>
    %max3A = arith.constant -1.000000e+30 : f32
    %max3A_14 = vector.broadcast %max3A : f32 to vector<200x2048xf32>
    %max3A_15 = arith.maximumf %div3A_13, %max3A_14 : vector<200x2048xf32>
    %mul3A_16 = arith.mulf %convert_element_type3A, %div3A_13 : vector<200x2048xf32>
    %reduce_sum3A = vector.shape_cast %mul3A_16 : vector<200x2048xf32> to vector<1x200x2048xf32>
    %reduce_sum3A_17 = arith.constant dense<0.000000e+00> : vector<1xf32>
    %reduce_sum3A_18 = vector.multi_reduction <add>, %reduce_sum3A, %reduce_sum3A_17 [1, 2] : vector<1x200x2048xf32> to vector<1xf32>
    %reduce_sum3A_19 = vector.shape_cast %reduce_sum3A_18 : vector<1xf32> to vector<1x1x1xf32>
    %reduce_sum3A_20 = vector.extract %reduce_sum3A_19[0, 0, 0] : f32 from vector<1x1x1xf32>
    %mul3A_21 = arith.mulf %convert_element_type3A, %max3A_15 : vector<200x2048xf32>
    %sub3A_22 = arith.subf %max3A_15, %mul3A_21 : vector<200x2048xf32>
    %reduce_sum3A_23 = vector.shape_cast %sub3A_22 : vector<200x2048xf32> to vector<1x200x2048xf32>
    %reduce_sum3A_24 = arith.constant dense<0.000000e+00> : vector<1xf32>
    %reduce_sum3A_25 = vector.multi_reduction <add>, %reduce_sum3A_23, %reduce_sum3A_24 [1, 2] : vector<1x200x2048xf32> to vector<1xf32>
    %reduce_sum3A_26 = vector.shape_cast %reduce_sum3A_25 : vector<1xf32> to vector<1x1x1xf32>
    %reduce_sum3A_27 = vector.extract %reduce_sum3A_26[0, 0, 0] : f32 from vector<1x1x1xf32>
    %reduce_sum3A_28 = vector.shape_cast %convert_element_type3A : vector<200x2048xf32> to vector<1x200x2048xf32>
    %reduce_sum3A_29 = arith.constant dense<0.000000e+00> : vector<1xf32>
    %reduce_sum3A_30 = vector.multi_reduction <add>, %reduce_sum3A_28, %reduce_sum3A_29 [1, 2] : vector<1x200x2048xf32> to vector<1xf32>
    %reduce_sum3A_31 = vector.shape_cast %reduce_sum3A_30 : vector<1xf32> to vector<1x1x1xf32>
    %reduce_sum3A_32 = vector.extract %reduce_sum3A_31[0, 0, 0] : f32 from vector<1x1x1xf32>
    %eq3A = arith.constant 0 : i32
    %eq3A_33 = arith.cmpi eq, %arg0, %eq3A : i32
    %convert_element_type3A_34 = arith.extui %eq3A_33 : i1 to i32
    %cond3A = arith.constant 0 : i32
    %cond3A_35 = arith.cmpi ne, %convert_element_type3A_34, %cond3A : i32
    scf.if %cond3A_35 {
      %swap3A = arith.constant 0 : index
      %swap3A_40 = arith.constant 0 : index
      %swap3A_41 = memref.load %arg3[%swap3A, %swap3A_40] : memref<1x3xf32, #tpu.memory_space<smem>>
      memref.store %reduce_sum3A_20, %arg3[%swap3A, %swap3A_40] : memref<1x3xf32, #tpu.memory_space<smem>>
      %swap3A_42 = arith.constant 0 : index
      %swap3A_43 = arith.constant 1 : index
      %swap3A_44 = memref.load %arg3[%swap3A_42, %swap3A_43] : memref<1x3xf32, #tpu.memory_space<smem>>
      memref.store %reduce_sum3A_27, %arg3[%swap3A_42, %swap3A_43] : memref<1x3xf32, #tpu.memory_space<smem>>
      %swap3A_45 = arith.constant 0 : index
      %swap3A_46 = arith.constant 2 : index
      %swap3A_47 = memref.load %arg3[%swap3A_45, %swap3A_46] : memref<1x3xf32, #tpu.memory_space<smem>>
      memref.store %reduce_sum3A_32, %arg3[%swap3A_45, %swap3A_46] : memref<1x3xf32, #tpu.memory_space<smem>>
    } else {
    }
    %gt3A = arith.constant 0 : i32
    %gt3A_36 = arith.cmpi sgt, %arg0, %gt3A : i32
    %convert_element_type3A_37 = arith.extui %gt3A_36 : i1 to i32
    %cond3A_38 = arith.constant 0 : i32
    %cond3A_39 = arith.cmpi ne, %convert_element_type3A_37, %cond3A_38 : i32
    scf.if %cond3A_39 {
      %get3A_40 = arith.constant 0 : index
      %get3A_41 = arith.constant 0 : index
      %get3A_42 = memref.load %arg3[%get3A_40, %get3A_41] : memref<1x3xf32, #tpu.memory_space<smem>>
      %add3A_43 = arith.addf %get3A_42, %reduce_sum3A_20 : f32
      %swap3A = arith.constant 0 : index
      %swap3A_44 = arith.constant 0 : index
      %swap3A_45 = memref.load %arg3[%swap3A, %swap3A_44] : memref<1x3xf32, #tpu.memory_space<smem>>
      memref.store %add3A_43, %arg3[%swap3A, %swap3A_44] : memref<1x3xf32, #tpu.memory_space<smem>>
      %get3A_46 = arith.constant 0 : index
      %get3A_47 = arith.constant 1 : index
      %get3A_48 = memref.load %arg3[%get3A_46, %get3A_47] : memref<1x3xf32, #tpu.memory_space<smem>>
      %add3A_49 = arith.addf %get3A_48, %reduce_sum3A_27 : f32
      %swap3A_50 = arith.constant 0 : index
      %swap3A_51 = arith.constant 1 : index
      %swap3A_52 = memref.load %arg3[%swap3A_50, %swap3A_51] : memref<1x3xf32, #tpu.memory_space<smem>>
      memref.store %add3A_49, %arg3[%swap3A_50, %swap3A_51] : memref<1x3xf32, #tpu.memory_space<smem>>
      %get3A_53 = arith.constant 0 : index
      %get3A_54 = arith.constant 2 : index
      %get3A_55 = memref.load %arg3[%get3A_53, %get3A_54] : memref<1x3xf32, #tpu.memory_space<smem>>
      %add3A_56 = arith.addf %get3A_55, %reduce_sum3A_32 : f32
      %swap3A_57 = arith.constant 0 : index
      %swap3A_58 = arith.constant 2 : index
      %swap3A_59 = memref.load %arg3[%swap3A_57, %swap3A_58] : memref<1x3xf32, #tpu.memory_space<smem>>
      memref.store %add3A_56, %arg3[%swap3A_57, %swap3A_58] : memref<1x3xf32, #tpu.memory_space<smem>>
    } else {
    }
    return
  }
  func.func @transform_0(%arg0: i32) -> (i32, i32) {
    %c0_i32 = arith.constant 0 : i32
    %c0_i32_0 = arith.constant 0 : i32
    return %c0_i32, %arg0 : i32, i32
  }
  func.func @transform_1(%arg0: i32) -> (i32, i32) {
    %c0_i32 = arith.constant 0 : i32
    %c0_i32_0 = arith.constant 0 : i32
    return %c0_i32, %arg0 : i32, i32
  }
  func.func @transform_2(%arg0: i32) -> (i32, i32) {
    %c0_i32 = arith.constant 0 : i32
    %c0_i32_0 = arith.constant 0 : i32
    %c0_i32_1 = arith.constant 0 : i32
    return %c0_i32, %c0_i32_0 : i32, i32
  }
}

</mosaic_0001>

<sc_bundles>
// kernel: kernel.4.cloned.1.call-start
scs
__scs_entry_jumppad:
0x0: {  	(pc) =	sbr.rel $0x88, $3  }
0x1: {  	(tag) =	ssettag $0x0;
	lr =	simm.s32 $0x1  }
0x2: {  	[smem:$0x3F9F] =	sst lr;
	_ =	strace $0xD0000000  }
0x3: {  	_ = 	snop  }
0x4: {  	_ = 	snop  }
0x5: {  	_ = 	snop  }
0x6: {  	_ = 	snop  }
0x7: {  	_ = 	snop  }
__scs_overlays_trampoline_lowered:
0x8: {  	[smem:$0x3FAE] =	sst s0  }
0x9: {  	[smem:$0x3FAF] =	sst s1  }
0xa: {  	[smem:$0x3FB0] =	sst s2  }
0xb: {  	[smem:$0x3FB1] =	sst s3  }
0xc: {  	[smem:$0x3FB2] =	sst s4  }
0xd: {  	[smem:$0x3FB3] =	sst s5  }
0xe: {  	[smem:$0x3FB4] =	sst s6  }
0xf: {  	[smem:$0x3FB5] =	sst s7  }
0x10: {  	[smem:$0x3FB6] =	sst s8  }
0x11: {  	[smem:$0x3FB7] =	sst s9;
	s0 =	simm.s32 @!p0 $0x0  }
0x12: {  	s1 =	sld [smem:$0x3F9D];
	s0 =	simm.s32 @p0 $0x1  }
0x13: {  	[smem:$0x3FB8] =	sst s0;
	s0 =	simm.s32 @!p1 $0x0  }
0x14: {  	s2 =	sld [smem:$0x3F9C];
	s0 =	simm.s32 @p1 $0x1  }
0x15: {  	[smem:$0x3FB9] =	sst s0;
	s0 =	simm.s32 @!p2 $0x0  }
0x16: {  	s3 =	sld [smem:$0x3FDB];
	s0 =	simm.s32 @p2 $0x1  }
0x17: {  	s4 =	simm.s32 $0x1BF5;
	[smem:$0x3FBB] =	sst s0  }
0x18: {  	s0 =	sld [smem:$0x3F9E];
	_ =	swait.ge [sflag:s4], $0x0  }
0x19: {  	s7 =	sld [smem:$0x3F9F]  }
0x1a: {  	s8 =	sadd.s32 $0xFFFFE003, lr  }
0x1b: {  	s9 =	sadd.s32 $0xFFFFFEF7, lr;
	s5 =	simm.s32 $0xFFFFFFFF;
	p2 =	slt.u32 s8, $0xFFFFF086  }
0x1c: {  	p1 =	slt.u32 s9, $0xF7A;
	s5 =	simm.s32 @!p2 $0x0  }
0x1d: {  	s5 =	simm.s32 @p1 $0x1;
	p0 =	seq.s32 s7, s2  }
0x1e: {  	s7 =	smul.u32 @!p0 $0xF7A, s2;
	p2 =	seq.s32 @!p0 s5, $0x0  }
0x1f: {  	s9 =	smul.u32 $0xF7A, s1;
	s8 =	simm.s32 @!p0 $0x1BF5;
	p2 =	por !p2, p0  }
0x20: {  	[sflag:s8] =	ssyncset.s32 @!p0 $0xFFFFF086;
	s6 =	sadd.s32 @!p0 s3, s7;
	s7 =	simm.s32 @!p0 $0x108  }
0x21: {  	s3 =	sadd.s32 s3, s9;
	s6 =	sadd.s32 @!p0 $0x88, s6;
	s7 =	simm.s32 @p2 $0x1082  }
0x22: {  	[simem:s7], [sflag:s8] =	dma.local @!p0 [hbm:s6], $0xF7A  }
0x23: {  	s9 =	sor.u32 $0xD0000000, s2;
	s6 =	simm.s32 $0x108;
	_ =	swait.ge @!p0 [sflag:s8], $0x0  }
0x24: {  	s3 =	sadd.s32 $0x88, s3;
	s6 =	simm.s32 @!p1 $0x1082;
	[sflag:s4] =	ssyncset.s32 $0xFFFFF086  }
0x25: {  	[simem:s6], [sflag:s4] =	dma.local [hbm:s3], $0xF7A  }
0x26: {  	[smem:$0x3F9F] =	sst s1;
	(tag) =	ssettag s2;
	_ =	strace s9  }
0x27: {  	s1 =	sld [smem:$0x3FAF]  }
0x28: {  	s2 =	sld [smem:$0x3FB0]  }
0x29: {  	s4 =	sld [smem:$0x3FB2]  }
0x2a: {  	p0 =	seq.s32 s5, $0x0;
	s5 =	sld [smem:$0x3FB3]  }
0x2b: {  	s6 =	sld [smem:$0x3FB4]  }
0x2c: {  	s7 =	sld [smem:$0x3FB5]  }
0x2d: {  	s3 =	simm.s32 $0x108;
	s8 =	sld [smem:$0x3FB6]  }
0x2e: {  	s3 =	simm.s32 @!p0 $0x1082;
	s9 =	sld [smem:$0x3FB7]  }
0x2f: {  	lr =	sadd.s32 s0, s3;
	s0 =	sld [smem:$0x3FAE]  }
0x30: {  	s3 =	sld [smem:$0x3FB1]  }
0x31: {  	[smem:$0x3FBA] =	sst s10  }
0x32: {  	s10 =	sld [smem:$0x3FB8];
	_ =	sdelay $0x3  }
0x33: {  	p0 =	seq.s32 s10, $0x1;
	s10 =	sld [smem:$0x3FBA];
	_ =	sdelay $0x3  }
0x34: {  	[smem:$0x3FBA] =	sst s10  }
0x35: {  	s10 =	sld [smem:$0x3FB9];
	_ =	sdelay $0x3  }
0x36: {  	p1 =	seq.s32 s10, $0x1;
	s10 =	sld [smem:$0x3FBA];
	_ =	sdelay $0x3  }
0x37: {  	[smem:$0x3FBA] =	sst s10  }
0x38: {  	s10 =	sld [smem:$0x3FBB]  }
0x39: {  	_ = 	snop;
	(pc) =	sbr.ind lr, $3  }
0x3a: {  	_ = 	snop  }
0x3b: {  	_ = 	snop  }
0x3c: {  	p2 =	seq.s32 s10, $0x1;
	s10 =	sld [smem:$0x3FBA]  }
0x3d: {  	_ =	shalt  }
0x3e: {  	_ =	shalt  }
0x3f: {  	_ =	shalt  }
0x40: {  	_ =	shalt  }
0x41: {  	_ =	shalt  }
0x42: {  	_ =	shalt  }
0x43: {  	_ =	shalt  }
0x44: {  	_ =	shalt  }
0x45: {  	_ =	shalt  }
0x46: {  	_ =	shalt  }
0x47: {  	_ =	shalt  }
0x48: {  	_ =	shalt  }
0x49: {  	_ =	shalt  }
0x4a: {  	_ =	shalt  }
0x4b: {  	_ =	shalt  }
0x4c: {  	_ =	shalt  }
0x4d: {  	_ =	shalt  }
0x4e: {  	_ =	shalt  }
0x4f: {  	_ =	shalt  }
0x50: {  	_ =	shalt  }
0x51: {  	_ =	shalt  }
0x52: {  	_ =	shalt  }
0x53: {  	_ =	shalt  }
0x54: {  	_ =	shalt  }
0x55: {  	_ =	shalt  }
0x56: {  	_ =	shalt  }
0x57: {  	_ =	shalt  }
0x58: {  	_ =	shalt  }
0x59: {  	_ =	shalt  }
0x5a: {  	_ =	shalt  }
0x5b: {  	_ =	shalt  }
0x5c: {  	_ =	shalt  }
0x5d: {  	_ =	shalt  }
0x5e: {  	_ =	shalt  }
0x5f: {  	_ =	shalt  }
0x60: {  	_ =	shalt  }
0x61: {  	_ =	shalt  }
0x62: {  	_ =	shalt  }
0x63: {  	_ =	shalt  }
0x64: {  	_ =	shalt  }
0x65: {  	_ =	shalt  }
0x66: {  	_ =	shalt  }
0x67: {  	_ =	shalt  }
0x68: {  	_ =	shalt  }
0x69: {  	_ =	shalt  }
0x6a: {  	_ =	shalt  }
0x6b: {  	_ =	shalt  }
0x6c: {  	_ =	shalt  }
0x6d: {  	_ =	shalt  }
0x6e: {  	_ =	shalt  }
0x6f: {  	_ =	shalt  }
0x70: {  	_ =	shalt  }
0x71: {  	_ =	shalt  }
0x72: {  	_ =	shalt  }
0x73: {  	_ =	shalt  }
0x74: {  	_ =	shalt  }
0x75: {  	_ =	shalt  }
0x76: {  	_ =	shalt  }
0x77: {  	_ =	shalt  }
0x78: {  	_ =	shalt  }
0x79: {  	_ =	shalt  }
0x7a: {  	_ =	shalt  }
0x7b: {  	_ =	shalt  }
0x7c: {  	_ =	shalt  }
0x7d: {  	_ =	shalt  }
0x7e: {  	_ =	shalt  }
0x7f: {  	_ =	shalt  }
0x80: {  	_ =	shalt  }
0x81: {  	_ =	shalt  }
0x82: {  	_ =	shalt  }
0x83: {  	_ =	shalt  }
0x84: {  	_ =	shalt  }
0x85: {  	_ =	shalt  }
0x86: {  	_ =	shalt  }
0x87: {  	_ =	shalt  }
.Lfunc_end0:
.L_simem_size_0:
called_computation_lowered:
.L_overlay_start_0:
0x88: {  	s2 =	sld [smem:$0x3FD9]  }
0x89: {  	s3 =	sld [smem:$0x3FFE];
	_ =	sdelay $0x1  }
0x8a: {  	s1 =	srdreg.scid  }
0x8b: {  	s0 =	sand.u32 $0x1, s1  }
0x8c: {  	s16 =	sshll.u32 s0, $0xA;
	s2 =	sadd.s32 s3, s2  }
0x8d: {  	s2 =	sadd.s32 s2, s16  }
0x8e: {  	[smem:$0x3FC6] =	sst s2  }
0x8f: {  	_ = 	snop  }
0x90: {  	(tm) =	ssettm $0x1  }
0x91: {  	s17 =	sld [smem:$0x3FFB];
	_ =	sdelay $0x3  }
0x92: {  	_ =	strace s17  }
0x93: {  	s2 =	sld [smem:$0x3FFC];
	_ =	sdelay $0x3  }
0x94: {  	_ =	strace s2  }
0x95: {  	s2 =	sld [smem:$0x3FFD];
	_ =	sdelay $0x3  }
0x96: {  	_ =	strace s2  }
0x97: {  	_ =	strace $0x8FFFFFFF  }
0x98: {  	s18 =	sld [smem:$0x3FDB];
	_ =	sdelay $0x1  }
0x99: {  	s19 =	simm.s32 $_scs_section_size  }
0x9a: {  	s4 =	simm.s32 $_size__tile_overlayer_lowered;
	s5 =	simm.s32 $_tile_overlayer_lowered  }
0x9b: {  	s22 =	simm.s32 $0x1BFF;
	s21 =	sshll.u32 s5, $0x1;
	s2 =	sadd.s32 s19, s18  }
0x9c: {  	s6 =	simm.s32 $0x0;
	s20 =	sshll.u32 s4, $0x1;
	s4 =	sadd.s32 s21, s2  }
0x9d: {  	[timem:s6], [sflag:s22] =	dma.local [hbm:s4], s20  }
0x9e: {  	_ =	swait.ge [sflag:s22], s20  }
0x9f: {  	s3 =	ssub.s32 $0x0, s20;
	[sflag:s22] =	ssyncset.done $0x0  }
0xa0: {  	[sflag:s22] =	ssyncadd.s32 s3;
	_ =	sdelay $0x1  }
0xa1: {  	s23 =	simm.s32 $0x1B8B  }
0xa2: {  	_ =	swait.ge [sflag:s23], $0x1  }
0xa3: {  	[sflag:s23] =	ssyncset.done $0x0  }
0xa4: {  	s25 =	simm.s32 $0x1B8E;
	s24 =	sld [smem:$0x3FFE];
	[sflag:s23] =	ssyncadd.s32 $0xFFFFFFFF  }
0xa5: {  	s26 =	simm.s32 $execute0_lowered;
	[smem:$0x3FD2] =	sst s25  }
0xa6: {  	s4 =	sshll.u32 s26, $0x1;
	_ =	strace $0x80000046;
	[dreg:$0x1] =	wrdreg $0xFFFFFFFF  }
0xa7: {  	s28 =	simm.s32 $_size_execute0_lowered;
	s2 =	sadd.s32 s2, s4;
	[dreg:$0x0] =	wrdreg $0x0  }
0xa8: {  	s4 =	sshll.u32 s28, $0x1;
	[dreg:$0x2] =	wrdreg s2  }
0xa9: {  	[dreg:$0x3] =	wrdreg s4  }
0xaa: {  	[dreg:$0x4] =	wrdreg $0xC0  }
0xab: {  	_ =	task [dreg:s6], $0x5FFFF  }
0xac: {  	[dreg:$0x1] =	wrdreg $0xFFFFFFFF  }
0xad: {  	[dreg:$0x0] =	wrdreg $0x60  }
0xae: {  	[dreg:$0x2] =	wrdreg s24  }
0xaf: {  	[dreg:$0x3] =	wrdreg $0x9  }
0xb0: {  	_ =	task.clear_ibuf [dreg:s6], $0x4FFFF;
	_ =	strace $0x90000046  }
0xb1: {  	s29 =	simm.s32 $0x9;
	_ =	strace $0x80000048  }
0xb2: {  	_ =	swait.ge [sflag:s29], $0x1  }
0xb3: {  	[sflag:s29] =	ssyncadd.s32 $0xFFFFFFFF  }
0xb4: {  	_ =	strace $0x90000048  }
0xb5: {  	_ =	sfence  }
0xb6: {  	s30 =	sld [smem:$0x0];
	_ =	sdelay $0x2  }
0xb7: {  	s31 =	sshll.u32 s1, $0xD;
	s1 =	sshrl.u32 s1, $0x2  }
0xb8: {  	s3 =	sand.u32 $0x4000, s31;
	s1 =	sadd.s32 s1, s30  }
0xb9: {  	s0 =	sor.u32 s3, s0;
	s1 =	sshll.u32 s1, $0x11  }
0xba: {  	s0 =	sor.u32 s1, s0  }
0xbb: {  	s0 =	sadd.s32 $0x8F2B, s0  }
0xbc: {  	[sflag:s0] =	ssyncadd.remote.s32 $0x1  }
0xbd: {  	_ =	sfence.sel $0xFFFF  }
0xbe: {  	[dreg:$0x0] =	wrdreg $0xFFFFFFFF;
	(pc) =	sbr.abs _section_cstart, $3  }
0xbf: {  	[dreg:$0x1] =	wrdreg $0xFFFFFFFF  }
0xc0: {  	_ =	task.clear_ibuf [dreg:s6], $0x2FFFF;
	_ =	strace $0x9FFFFFFF  }
0xc1: {  	(tm) =	ssettm $0x7FFFFFFF  }
tec
execute0_lowered:
.L_overlay_start_1:
0x0: {  	(tag) =	ssettag $0x1  }
0x1: {  	s1 =	srdreg.scid;
	s0 =	stileid.u32  }
0x2: {  	s3 =	rddreg [dreg:$0x0];
	s2 =	simm.s32 $0x0;
	s8 =	simm.s32 $0x2  }
0x3: {  	s4 =	sand.u32 $0x1, s1;
	s5 =	sshll.u32 s0, $0x1;
	s1 =	rddreg [dreg:$0x1]  }
0x4: {  	s9 =	simm.s32 $0x0;
	[smem:$0x7FF] =	sst s2;
	s5 =	sor.u32 s4, s5  }
0x5: {  	s4 =	ssub.s32 $0x2, s4;
	s6 =	smul.u32 $0x640, s5;
	s5 =	sshll.u32 s5, $0x6  }
0x6: {  	_ =	strace $0x80000047;
	s7 =	sshrl.u32 s4, $0x1;
	s5 =	sadd.s32 s5, s3  }
0x7: {  	s7 =	ssub.s32 s4, s7;
	s3 =	sadd.s32 s3, s6;
	s4 =	sadd.s32 $0xC800, s5  }
0x8: {  	v0 =	vimm.f32 $0.0e+00;
	s5 =	smax.u32 s7, $0x1;
	s6 =	simm.s32 $0x1;
	s7 =	simm.s32 $0x3200  }
.LBB2_1:
0x9: {  	[tilespmem:s2], [sflag:$0x1] =	stream.linear.gather [hbm4b:s3+s2], $0x3200, $0x38;
	[tilespmem:$0x3400] =	vst v63  }
0xa: {  	_ =	swait.ge [sflag:s6], $0x3200  }
0xb: {  	[sflag:s6] =	ssyncset.done $0x0  }
0xc: {  	s10 =	simm.s32 $0x40;
	[sflag:s6] =	ssyncadd.s32 $0xFFFFCE00  }
0xd: {  	v4 =	vld [tilespmem:s10+$0x0]  }
0xe: {  	v3 =	vld [tilespmem:s10+$0x10]  }
0xf: {  	v2 =	vld [tilespmem:s10+$0x20];
	_ =	sdelay $0x1  }
0x10: {  	v1 =	vld [tilespmem:s10+$0x30];
	_ =	sdelay $0x1  }
0x11: {  	v8 =	vand.u32 $0x7FFFFFFF, v4;
	v9 =	vand.u32 $0x7FFFFFFF, v3  }
0x12: {  	v10 =	vand.u32 $0x7FFFFFFF, v2;
	vm0 =	vlt.f32 v4, $0.0e+00;
	vm2 =	vgt.f32 v4, $0.0e+00  }
0x13: {  	vm3 =	vlt.f32 v3, $0.0e+00;
	vm4 =	vgt.f32 v3, $0.0e+00;
	vm7 =	vlt.f32 v2, $0.0e+00  }
0x14: {  	vm8 =	vgt.f32 v2, $0.0e+00;
	vm1 =	vlt.f32 v1, $0.0e+00;
	v5 =	vand.u32 $0x7FFFFF, v8  }
0x15: {  	v6 =	vand.u32 $0x7FFFFF, v9;
	v7 =	vand.u32 $0x7FFFFF, v10;
	vm5 =	vmor vm2, vm0  }
0x16: {  	vm2 =	vgt.f32 v1, $0.0e+00;
	v11 =	vor.u32 $0x3F800000, v5;
	v12 =	vor.u32 $0x3F800000, v6  }
0x17: {  	v13 =	vor.u32 $0x3F800000, v7;
	v6 =	vmul.f32 $3.044899930e-02, v11;
	v7 =	vmul.f32 $3.044899930e-02, v12  }
0x18: {  	vm6 =	vmor vm4, vm3;
	v8 =	vshrl.u32 v8, $0x17;
	v14 =	vmul.f32 $3.044899930e-02, v13  }
0x19: {  	v9 =	vshrl.u32 v9, $0x17;
	v5 =	vld [tilespmem:s10+$0xFFFFFFC0];
	v6 =	vadd.f32 $-2.838268580e-01, v6;
	v15 =	vadd.f32 $-2.838268580e-01, v7  }
0x1a: {  	v17 =	vcvt.s32.f32 v8;
	v9 =	vcvt.s32.f32 v9;
	v14 =	vadd.f32 $-2.838268580e-01, v14  }
0x1b: {  	v10 =	vshrl.u32 v10, $0x17;
	v7 =	vld [tilespmem:s10+$0xFFFFFFD0];
	v16 =	vmul.f32 v11, v6;
	v15 =	vmul.f32 v12, v15  }
0x1c: {  	vm7 =	vmor vm8, vm7;
	v10 =	vcvt.s32.f32 v10;
	v14 =	vmul.f32 v13, v14  }
0x1d: {  	vm1 =	vmor vm2, vm1;
	v6 =	vld [tilespmem:s10+$0xFFFFFFE0];
	v16 =	vadd.f32 $1.116090060e+00, v16;
	v15 =	vadd.f32 $1.116090060e+00, v15  }
0x1e: {  	v9 =	vmul.f32 $6.931471820e-01, v9;
	vm9 =	vlt.f32 v5, $0.0e+00;
	v14 =	vadd.f32 $1.116090060e+00, v14  }
0x1f: {  	v8 =	vld [tilespmem:s10+$0xFFFFFFF0];
	vm10 =	vgt.f32 v5, $0.0e+00;
	v16 =	vmul.f32 v11, v16;
	v15 =	vmul.f32 v12, v15  }
0x20: {  	vm0 =	vmor vm10, vm9;
	vm3 =	vlt.f32 v7, $0.0e+00;
	v14 =	vmul.f32 v13, v14  }
0x21: {  	vm4 =	vgt.f32 v7, $0.0e+00;
	v16 =	vadd.f32 $-2.440029860e+00, v16;
	v15 =	vadd.f32 $-2.440029860e+00, v15  }
0x22: {  	vm2 =	vmor vm4, vm3;
	vm8 =	vlt.f32 v6, $0.0e+00;
	v14 =	vadd.f32 $-2.440029860e+00, v14  }
0x23: {  	vm9 =	vgt.f32 v6, $0.0e+00;
	v16 =	vmul.f32 v11, v16;
	v15 =	vmul.f32 v12, v15  }
0x24: {  	vm4 =	vlt.f32 v8, $0.0e+00;
	vm3 =	vmor vm9, vm8;
	v14 =	vmul.f32 v13, v14  }
0x25: {  	vm8 =	vgt.f32 v8, $0.0e+00;
	v16 =	vadd.f32 $3.514087200e+00, v16;
	v15 =	vadd.f32 $3.514087200e+00, v15  }
0x26: {  	v10 =	vmul.f32 $6.931471820e-01, v10;
	vm4 =	vmor vm8, vm4;
	v14 =	vadd.f32 $3.514087200e+00, v14  }
0x27: {  	vm8 =	vge.f32 v6, $0.0e+00;
	v11 =	vmul.f32 v11, v16;
	v12 =	vmul.f32 v12, v15  }
0x28: {  	v15 =	vmul.f32 $6.931471820e-01, v17;
	v13 =	vmul.f32 v13, v14;
	v14 =	vand.u32 $0x7FFFFFFF, v6  }
0x29: {  	v19 =	vand.u32 $0x7FFFFF, v14;
	v14 =	vshrl.u32 v14, $0x17;
	v11 =	vadd.f32 $-8.996645360e+01, v11  }
0x2a: {  	v12 =	vadd.f32 $-8.996645360e+01, v12;
	v13 =	vadd.f32 $-8.996645360e+01, v13;
	v19 =	vor.u32 $0x3F800000, v19  }
0x2b: {  	v14 =	vcvt.s32.f32 v14;
	v25 =	vmul.f32 $3.044899930e-02, v19;
	v11 =	vadd.f32 v11, v15  }
0x2c: {  	v9 =	vadd.f32 v12, v9;
	v10 =	vadd.f32 v13, v10;
	v12 =	vand.u32 $0x7FFFFFFF, v7  }
0x2d: {  	v13 =	vand.u32 $0x7FFFFFFF, v1;
	v15 =	vand.u32 $0x7FFFFFFF, v8;
	v14 =	vmul.f32 $6.931471820e-01, v14  }
0x2e: {  	v17 =	vshrl.u32 v13, $0x17;
	v18 =	vshrl.u32 v12, $0x17;
	v13 =	vand.u32 $0x7FFFFF, v13  }
0x2f: {  	v12 =	vand.u32 $0x7FFFFF, v12;
	v20 =	vand.u32 $0x7FFFFF, v15;
	v25 =	vadd.f32 $-2.838268580e-01, v25  }
0x30: {  	v21 =	vnsel vm7, $0xFF800000, v10;
	v10 =	vand.u32 $0x7FFFFFFF, v5;
	v13 =	vor.u32 $0x3F800000, v13  }
0x31: {  	v16 =	vshrl.u32 v10, $0x17;
	v10 =	vand.u32 $0x7FFFFF, v10;
	v22 =	vmul.f32 $3.044899930e-02, v13  }
0x32: {  	v15 =	vshrl.u32 v15, $0x17;
	v12 =	vor.u32 $0x3F800000, v12;
	v10 =	vor.u32 $0x3F800000, v10  }
0x33: {  	v17 =	vcvt.s32.f32 v17;
	v23 =	vmul.f32 $3.044899930e-02, v10;
	v22 =	vadd.f32 $-2.838268580e-01, v22  }
0x34: {  	v20 =	vor.u32 $0x3F800000, v20;
	v18 =	vcvt.s32.f32 v18;
	v24 =	vmul.f32 $3.044899930e-02, v12  }
0x35: {  	v26 =	vmul.f32 $3.044899930e-02, v20;
	v23 =	vadd.f32 $-2.838268580e-01, v23;
	v22 =	vmul.f32 v13, v22  }
0x36: {  	v15 =	vcvt.s32.f32 v15;
	v25 =	vmul.f32 v19, v25;
	v24 =	vadd.f32 $-2.838268580e-01, v24  }
0x37: {  	v26 =	vadd.f32 $-2.838268580e-01, v26;
	v23 =	vmul.f32 v10, v23;
	v22 =	vadd.f32 $1.116090060e+00, v22  }
0x38: {  	v6 =	vimm.f32 $0.0e+00;
	v16 =	vcvt.s32.f32 v16;
	v24 =	vmul.f32 v12, v24  }
0x39: {  	v26 =	vmul.f32 v20, v26;
	v23 =	vadd.f32 $1.116090060e+00, v23;
	v22 =	vmul.f32 v13, v22  }
0x3a: {  	v17 =	vmul.f32 $6.931471820e-01, v17;
	v25 =	vadd.f32 $1.116090060e+00, v25;
	v24 =	vadd.f32 $1.116090060e+00, v24  }
0x3b: {  	v26 =	vadd.f32 $1.116090060e+00, v26;
	v23 =	vmul.f32 v10, v23;
	v22 =	vadd.f32 $-2.440029860e+00, v22  }
0x3c: {  	v11 =	vnsel vm5, $0xFF800000, v11;
	v25 =	vmul.f32 v19, v25;
	v24 =	vmul.f32 v12, v24  }
0x3d: {  	v26 =	vmul.f32 v20, v26;
	v23 =	vadd.f32 $-2.440029860e+00, v23;
	v22 =	vmul.f32 v13, v22  }
0x3e: {  	v18 =	vmul.f32 $6.931471820e-01, v18;
	v25 =	vadd.f32 $-2.440029860e+00, v25;
	v24 =	vadd.f32 $-2.440029860e+00, v24  }
0x3f: {  	v26 =	vadd.f32 $-2.440029860e+00, v26;
	v23 =	vmul.f32 v10, v23;
	v22 =	vadd.f32 $3.514087200e+00, v22  }
0x40: {  	v9 =	vnsel vm6, $0xFF800000, v9;
	v25 =	vmul.f32 v19, v25;
	v24 =	vmul.f32 v12, v24  }
0x41: {  	v26 =	vmul.f32 v20, v26;
	v23 =	vadd.f32 $3.514087200e+00, v23;
	v13 =	vmul.f32 v13, v22  }
0x42: {  	v16 =	vmul.f32 $6.931471820e-01, v16;
	v25 =	vadd.f32 $3.514087200e+00, v25;
	v24 =	vadd.f32 $3.514087200e+00, v24  }
0x43: {  	v22 =	vadd.f32 $3.514087200e+00, v26;
	v10 =	vmul.f32 v10, v23;
	v13 =	vadd.f32 $-8.996645360e+01, v13  }
0x44: {  	vm5 =	vge.f32 v2, $0.0e+00;
	v19 =	vmul.f32 v19, v25;
	v12 =	vmul.f32 v12, v24  }
0x45: {  	v20 =	vmul.f32 v20, v22;
	v10 =	vadd.f32 $-8.996645360e+01, v10;
	v13 =	vadd.f32 v13, v17  }
0x46: {  	v15 =	vmul.f32 $6.931471820e-01, v15;
	v12 =	vadd.f32 $-8.996645360e+01, v12;
	v17 =	vadd.f32 $-8.996645360e+01, v19  }
0x47: {  	v19 =	vadd.f32 $-8.996645360e+01, v20;
	v10 =	vadd.f32 v10, v16;
	v22 =	vnsel vm1, $0xFF800000, v13  }
0x48: {  	vm1 =	vge.f32 v4, $0.0e+00;
	v4 =	vadd.f32 v12, v18;
	v12 =	vadd.f32 v17, v14  }
0x49: {  	v16 =	vsel vm8, $0x3F800000, v0;
	v18 =	vsel vm1, $0x3F800000, v0;
	v26 =	vnsel vm1, $0x0, v11  }
0x4a: {  	v27 =	vsel vm1, $0x0, v11;
	vm1 =	vge.f32 v1, $0.0e+00;
	v10 =	vnsel vm0, $0xFF800000, v10  }
0x4b: {  	vm0 =	vge.f32 v3, $0.0e+00;
	v3 =	vadd.f32 v19, v15;
	v25 =	vnsel vm2, $0xFF800000, v4  }
0x4c: {  	v24 =	vnsel vm3, $0xFF800000, v12;
	vm2 =	vge.f32 v5, $0.0e+00;
	v5 =	vimm.f32 $0.0e+00  }
0x4d: {  	v4 =	vimm.f32 $0.0e+00;
	v1 =	vsel vm2, $0x3F800000, v0;
	v2 =	vnsel vm2, $0x0, v10  }
0x4e: {  	v17 =	vsel vm0, $0x3F800000, v0;
	v28 =	vnsel vm0, $0x0, v9;
	v20 =	vsel vm0, $0x0, v9  }
0x4f: {  	vm0 =	vge.f32 v8, $0.0e+00;
	v9 =	vsel vm1, $0x3F800000, v0;
	v8 =	vimm.f32 $0.0e+00  }
0x50: {  	v23 =	vnsel vm4, $0xFF800000, v3;
	vm4 =	vge.f32 v7, $0.0e+00;
	v3 =	vsel vm2, $0x0, v10  }
0x51: {  	v10 =	vsel vm5, $0x3F800000, v0;
	v15 =	vsel vm0, $0x3F800000, v0;
	v11 =	vadd.f32 v2, v0  }
0x52: {  	v13 =	vadd.f32 v1, v0;
	v7 =	vimm.f32 $0.0e+00;
	v1 =	vimm.f32 $0.0e+00  }
0x53: {  	v19 =	vsel vm4, $0x3F800000, v0;
	v12 =	vadd.f32 v3, v0;
	v2 =	vnsel vm4, $0x0, v25  }
0x54: {  	s11 =	simm.s32 $0xC0;
	s10 =	simm.s32 $0x0;
	v3 =	vimm.f32 $0.0e+00;
	v14 =	vadd.f32 v2, v0;
	v2 =	vimm.f32 $0.0e+00  }
.LBB2_2:
0x55: {  	v25 =	vsel vm4, $0x0, v25  }
0x56: {  	v29 =	vld [tilespmem:s11+$0x0];
	v12 =	vadd.f32 v27, v12;
	v27 =	vnsel vm8, $0x0, v24;
	v6 =	vadd.f32 v19, v6  }
0x57: {  	v19 =	vsel vm8, $0x0, v24;
	v1 =	vadd.f32 v16, v1;
	v3 =	vadd.f32 v15, v3  }
0x58: {  	v16 =	vsel vm0, $0x0, v23;
	v11 =	vadd.f32 v26, v11;
	v26 =	vld [tilespmem:s11+$0x10];
	v5 =	vadd.f32 v25, v5  }
0x59: {  	v7 =	vadd.f32 v27, v7;
	v8 =	vadd.f32 v19, v8;
	v19 =	vnsel vm5, $0x0, v21  }
0x5a: {  	v25 =	vld [tilespmem:s11+$0xFFFFFFC0];
	v6 =	vadd.f32 v17, v6;
	v17 =	vsel vm5, $0x0, v21;
	v21 =	vnsel vm0, $0x0, v23  }
0x5b: {  	v3 =	vadd.f32 v9, v3;
	v9 =	vimm.s32 $0x0;
	vm0 =	vge.f32 v29, $0.0e+00  }
0x5c: {  	v7 =	vadd.f32 v19, v7;
	v19 =	vld [tilespmem:s11+$0xFFFFFFF0];
	v9 =	vsel vm0, $0xFFFFFFFF, v9  }
0x5d: {  	vm8 =	vge.f32 v26, $0.0e+00;
	[tilespmem:$0x1FFD0] =	vst v9;
	v9 =	vimm.s32 $0x0  }
0x5e: {  	v9 =	vsel vm8, $0xFFFFFFFF, v9  }
0x5f: {  	v15 =	vnsel vm1, $0x0, v22;
	vm2 =	vge.f32 v25, $0.0e+00;
	[tilespmem:$0x1FFF0] =	vst v9;
	v9 =	vimm.s32 $0x0  }
0x60: {  	v24 =	vld [tilespmem:s11+$0x30];
	v13 =	vadd.f32 v18, v13;
	v1 =	vadd.f32 v10, v1;
	v9 =	vsel vm2, $0xFFFFFFFF, v9  }
0x61: {  	v18 =	vld [tilespmem:s11+$0x20];
	v10 =	vsel vm1, $0x0, v22;
	vm1 =	vge.f32 v19, $0.0e+00;
	[tilespmem:$0x1FFE0] =	vst v9;
	v9 =	vimm.s32 $0x0  }
0x62: {  	v14 =	vadd.f32 v28, v14;
	v2 =	vadd.f32 v16, v2;
	v9 =	vsel vm1, $0xFFFFFFFF, v9  }
0x63: {  	v4 =	vadd.f32 v21, v4;
	vm6 =	vlt.f32 v29, $0.0e+00;
	[tilespmem:$0x1FFC0] =	vst v9;
	v9 =	vimm.s32 $0x0  }
0x64: {  	v5 =	vadd.f32 v20, v5;
	v8 =	vadd.f32 v17, v8;
	v9 =	vsel vm6, $0xFFFFFFFF, v9  }
0x65: {  	v4 =	vadd.f32 v15, v4;
	vm3 =	vge.f32 v24, $0.0e+00;
	vm11 =	vgt.f32 v24, $0.0e+00;
	[tilespmem:$0x1FF20] =	vst v9  }
0x66: {  	v21 =	vand.u32 $0x7FFFFFFF, v29;
	vm5 =	vge.f32 v18, $0.0e+00;
	vm6 =	vgt.f32 v29, $0.0e+00;
	v29 =	vld [tilespmem:$0x1FF20]  }
0x67: {  	vm15 =	vgt.f32 v26, $0.0e+00;
	vm14 =	vgt.f32 v18, $0.0e+00;
	v9 =	vimm.s32 $0x0  }
0x68: {  	vm9 =	vlt.f32 v25, $0.0e+00;
	vm7 =	vgt.f32 v25, $0.0e+00;
	v9 =	vsel vm6, $0xFFFFFFFF, v9  }
0x69: {  	v20 =	vld [tilespmem:s11+$0xFFFFFFD0];
	v22 =	vand.u32 $0x7FFFFFFF, v26;
	vm6 =	vlt.f32 v26, $0.0e+00;
	[tilespmem:$0x1FF30] =	vst v9;
	v9 =	vimm.s32 $0x0  }
0x6a: {  	v17 =	vld [tilespmem:s11+$0xFFFFFFE0];
	v23 =	vand.u32 $0x7FFFFFFF, v18;
	v25 =	vand.u32 $0x7FFFFFFF, v25;
	v9 =	vsel vm6, $0xFFFFFFFF, v9  }
0x6b: {  	vm6 =	vlt.f32 v18, $0.0e+00;
	v18 =	vsel vm0, $0x3F800000, v0;
	vm0 =	vnez.u8 v29;
	v29 =	vld [tilespmem:$0x1FF30]  }
0x6c: {  	v37 =	vand.u32 $0x7FFFFF, v21;
	v30 =	vshrl.u32 v22, $0x17;
	v31 =	vshrl.u32 v25, $0x17  }
0x6d: {  	v32 =	vshrl.u32 v23, $0x17;
	v38 =	vand.u32 $0x7FFFFF, v22;
	v39 =	vand.u32 $0x7FFFFF, v23  }
0x6e: {  	v25 =	vand.u32 $0x7FFFFF, v25;
	v56 =	vor.u32 $0x3F800000, v37;
	vm4 =	vge.f32 v20, $0.0e+00  }
0x6f: {  	vm12 =	vge.f32 v17, $0.0e+00;
	vm10 =	vlt.f32 v20, $0.0e+00;
	vm13 =	vlt.f32 v17, $0.0e+00  }
0x70: {  	v27 =	vand.u32 $0x7FFFFFFF, v17;
	v15 =	vsel vm1, $0x3F800000, v0;
	vm1 =	vnez.u8 v29  }
0x71: {  	v28 =	vand.u32 $0x7FFFFFFF, v19;
	v29 =	vimm.s32 $0x0;
	vm0 =	vmor vm1, vm0  }
0x72: {  	v30 =	vcvt.s32.f32 v30;
	v23 =	vcvt.s32.f32 v31;
	[tilespmem:$0x1FF40] =	vst v9;
	v29 =	vsel vm0, $0xFFFFFFFF, v29  }
0x73: {  	v57 =	vor.u32 $0x3F800000, v38;
	v25 =	vor.u32 $0x3F800000, v25;
	v58 =	vor.u32 $0x3F800000, v39;
	[tilespmem:$0x1FFA0] =	vst v29;
	v29 =	vld [tilespmem:$0x1FF40]  }
0x74: {  	v37 =	vmul.f32 $3.044899930e-02, v56;
	v35 =	vshrl.u32 v27, $0x17;
	v36 =	vshrl.u32 v28, $0x17  }
0x75: {  	v27 =	vand.u32 $0x7FFFFF, v27;
	v38 =	vmul.f32 $3.044899930e-02, v57;
	v39 =	vmul.f32 $3.044899930e-02, v58  }
0x76: {  	v28 =	vand.u32 $0x7FFFFF, v28;
	v41 =	vmul.f32 $3.044899930e-02, v25;
	v22 =	vcvt.s32.f32 v35  }
0x77: {  	v27 =	vor.u32 $0x3F800000, v27;
	v28 =	vor.u32 $0x3F800000, v28;
	v37 =	vadd.f32 $-2.838268580e-01, v37  }
0x78: {  	v30 =	vmul.f32 $6.931471820e-01, v30;
	v9 =	vimm.s32 $0x0;
	vm0 =	vnez.u8 v29  }
0x79: {  	v9 =	vsel vm6, $0xFFFFFFFF, v9;
	v29 =	vimm.s32 $0x0;
	vm0 =	vmor vm15, vm0  }
0x7a: {  	v23 =	vmul.f32 $6.931471820e-01, v23;
	v43 =	vmul.f32 $3.044899930e-02, v27;
	[tilespmem:$0x1FF50] =	vst v9;
	v29 =	vsel vm0, $0xFFFFFFFF, v29  }
0x7b: {  	v61 =	vmul.f32 $3.044899930e-02, v28;
	v38 =	vadd.f32 $-2.838268580e-01, v38;
	v39 =	vadd.f32 $-2.838268580e-01, v39;
	[tilespmem:$0x1FFB0] =	vst v29;
	v29 =	vld [tilespmem:$0x1FF50]  }
0x7c: {  	v41 =	vadd.f32 $-2.838268580e-01, v41;
	vm6 =	vlt.f32 v24, $0.0e+00;
	v9 =	vimm.s32 $0x0  }
0x7d: {  	v37 =	vmul.f32 v56, v37;
	v22 =	vmul.f32 $6.931471820e-01, v22;
	v9 =	vsel vm6, $0xFFFFFFFF, v9  }
0x7e: {  	v38 =	vmul.f32 v57, v38;
	v43 =	vadd.f32 $-2.838268580e-01, v43;
	[tilespmem:$0x1FF60] =	vst v9;
	v9 =	vimm.s32 $0x0  }
0x7f: {  	v41 =	vmul.f32 v25, v41;
	v37 =	vadd.f32 $1.116090060e+00, v37;
	v9 =	vsel vm13, $0xFFFFFFFF, v9  }
0x80: {  	v43 =	vmul.f32 v27, v43;
	v26 =	vand.u32 $0x7FFFFFFF, v20;
	[tilespmem:$0x1FF70] =	vst v9;
	vm0 =	vnez.u8 v29;
	v29 =	vld [tilespmem:$0x1FF60]  }
0x81: {  	v38 =	vadd.f32 $1.116090060e+00, v38;
	v34 =	vshrl.u32 v26, $0x17;
	v26 =	vand.u32 $0x7FFFFF, v26;
	v44 =	vld [tilespmem:$0x1FF70]  }
0x82: {  	v41 =	vadd.f32 $1.116090060e+00, v41;
	v37 =	vmul.f32 v56, v37;
	v26 =	vor.u32 $0x3F800000, v26  }
0x83: {  	v39 =	vmul.f32 v58, v39;
	v43 =	vadd.f32 $1.116090060e+00, v43;
	v42 =	vmul.f32 $3.044899930e-02, v26  }
0x84: {  	v38 =	vmul.f32 v57, v38;
	v41 =	vmul.f32 v25, v41;
	v37 =	vadd.f32 $-2.440029860e+00, v37  }
0x85: {  	v42 =	vadd.f32 $-2.838268580e-01, v42;
	vm14 =	vmor vm14, vm0;
	vm0 =	vnez.u8 v29  }
0x86: {  	vm15 =	vmor vm11, vm0;
	vm0 =	vnez.u8 v44;
	v44 =	vadd.f32 $-2.838268580e-01, v61  }
0x87: {  	v38 =	vadd.f32 $-2.440029860e+00, v38;
	v43 =	vmul.f32 v27, v43;
	v42 =	vmul.f32 v26, v42  }
0x88: {  	v41 =	vadd.f32 $-2.440029860e+00, v41;
	v24 =	vand.u32 $0x7FFFFFFF, v24;
	v44 =	vmul.f32 v28, v44  }
0x89: {  	v37 =	vmul.f32 v56, v37;
	v33 =	vshrl.u32 v24, $0x17;
	v42 =	vadd.f32 $1.116090060e+00, v42  }
0x8a: {  	v40 =	vand.u32 $0x7FFFFF, v24;
	v24 =	vcvt.s32.f32 v34;
	v44 =	vadd.f32 $1.116090060e+00, v44  }
0x8b: {  	v16 =	vsel vm12, $0x3F800000, v0;
	v38 =	vmul.f32 v57, v38;
	v42 =	vmul.f32 v26, v42  }
0x8c: {  	v43 =	vadd.f32 $-2.440029860e+00, v43;
	v41 =	vmul.f32 v25, v41;
	v44 =	vmul.f32 v28, v44  }
0x8d: {  	vm6 =	vgt.f32 v20, $0.0e+00;
	v20 =	vsel vm2, $0x3F800000, v0;
	v42 =	vadd.f32 $-2.440029860e+00, v42  }
0x8e: {  	v31 =	vcvt.s32.f32 v33;
	v59 =	vor.u32 $0x3F800000, v40;
	v44 =	vadd.f32 $-2.440029860e+00, v44  }
0x8f: {  	v37 =	vadd.f32 $3.514087200e+00, v37;
	v43 =	vmul.f32 v27, v43;
	v42 =	vmul.f32 v26, v42  }
0x90: {  	v40 =	vmul.f32 $3.044899930e-02, v59;
	v41 =	vadd.f32 $3.514087200e+00, v41;
	v44 =	vmul.f32 v28, v44  }
0x91: {  	v24 =	vmul.f32 $6.931471820e-01, v24;
	v62 =	vadd.f32 $3.514087200e+00, v43;
	v42 =	vadd.f32 $3.514087200e+00, v42  }
0x92: {  	vm13 =	vgt.f32 v17, $0.0e+00;
	v25 =	vmul.f32 v25, v41;
	v63 =	vadd.f32 $3.514087200e+00, v44  }
0x93: {  	v9 =	vimm.s32 $0x0;
	v27 =	vmul.f32 v27, v62;
	v26 =	vmul.f32 v26, v42  }
0x94: {  	v29 =	vshrl.u32 v21, $0x17;
	v21 =	vcvt.s32.f32 v36;
	v28 =	vmul.f32 v28, v63  }
0x95: {  	v9 =	vsel vm13, $0xFFFFFFFF, v9;
	vm13 =	vlt.f32 v19, $0.0e+00;
	v26 =	vadd.f32 $-8.996645360e+01, v26  }
0x96: {  	[tilespmem:$0x1FF80] =	vst v9;
	v27 =	vadd.f32 $-8.996645360e+01, v27;
	v21 =	vmul.f32 $6.931471820e-01, v21;
	v28 =	vadd.f32 $-8.996645360e+01, v28  }
0x97: {  	v9 =	vimm.s32 $0x0;
	v25 =	vadd.f32 $-8.996645360e+01, v25;
	v60 =	vld [tilespmem:$0x1FF80];
	v24 =	vadd.f32 v26, v24  }
0x98: {  	v9 =	vsel vm13, $0xFFFFFFFF, v9;
	v26 =	vadd.f32 v27, v22;
	v27 =	vadd.f32 v28, v21;
	v21 =	vld [tilespmem:$0x1FFA0]  }
0x99: {  	v38 =	vadd.f32 $3.514087200e+00, v38;
	v17 =	vsel vm8, $0x3F800000, v0;
	v33 =	vmul.f32 v56, v37;
	[tilespmem:$0x1FF90] =	vst v9  }
0x9a: {  	vm8 =	vmmov vm12;
	v40 =	vadd.f32 $-2.838268580e-01, v40;
	v23 =	vadd.f32 v25, v23;
	v25 =	vld [tilespmem:$0x1FF90]  }
0x9b: {  	vm12 =	vmor vm6, vm10;
	v34 =	vmul.f32 v57, v38;
	v33 =	vadd.f32 $-8.996645360e+01, v33  }
0x9c: {  	vm1 =	vmmov vm3;
	v40 =	vmul.f32 v59, v40;
	v29 =	vcvt.s32.f32 v29  }
0x9d: {  	v9 =	vsel vm3, $0x3F800000, v0;
	vm2 =	vnez.u8 v60;
	vm3 =	vnez.u8 v21;
	v21 =	vld [tilespmem:$0x1FFB0]  }
0x9e: {  	v34 =	vadd.f32 $-8.996645360e+01, v34;
	vm2 =	vmor vm2, vm0;
	v29 =	vmul.f32 $6.931471820e-01, v29  }
0x9f: {  	vm0 =	vnez.u8 v25;
	v25 =	vnsel vm12, $0xFF800000, v24;
	v24 =	vnsel vm2, $0xFF800000, v26;
	v26 =	vld [tilespmem:$0x1FFC0]  }
0xa0: {  	v39 =	vadd.f32 $1.116090060e+00, v39;
	v29 =	vadd.f32 v33, v29  }
0xa1: {  	vm7 =	vmor vm7, vm9;
	v40 =	vadd.f32 $1.116090060e+00, v40;
	v30 =	vadd.f32 v34, v30  }
0xa2: {  	vm13 =	vgt.f32 v19, $0.0e+00;
	v28 =	vnsel vm3, $0xFF800000, v29;
	vm3 =	vnez.u8 v21  }
0xa3: {  	v40 =	vmul.f32 v59, v40;
	vm0 =	vmor vm13, vm0;
	v29 =	vnsel vm3, $0xFF800000, v30  }
0xa4: {  	v30 =	vnsel vm7, $0xFF800000, v23;
	v23 =	vnsel vm0, $0xFF800000, v27;
	vm0 =	vnez.u8 v26;
	v26 =	vld [tilespmem:$0x1FFD0]  }
0xa5: {  	v39 =	vmul.f32 v58, v39  }
0xa6: {  	v40 =	vadd.f32 $-2.440029860e+00, v40  }
0xa7: {  	v39 =	vadd.f32 $-2.440029860e+00, v39  }
0xa8: {  	v40 =	vmul.f32 v59, v40  }
0xa9: {  	v39 =	vmul.f32 v58, v39;
	vm2 =	vnez.u8 v26  }
0xaa: {  	v40 =	vadd.f32 $3.514087200e+00, v40;
	v26 =	vnsel vm2, $0x0, v28;
	v27 =	vsel vm2, $0x0, v28;
	v28 =	vld [tilespmem:$0x1FFE0]  }
0xab: {  	v39 =	vadd.f32 $3.514087200e+00, v39  }
0xac: {  	v36 =	vmul.f32 v59, v40  }
0xad: {  	v32 =	vcvt.s32.f32 v32;
	v35 =	vmul.f32 v58, v39  }
0xae: {  	v31 =	vmul.f32 $6.931471820e-01, v31;
	v36 =	vadd.f32 $-8.996645360e+01, v36  }
0xaf: {  	s10 =	sadd.s32 $0x2, s10;
	v32 =	vmul.f32 $6.931471820e-01, v32;
	v35 =	vadd.f32 $-8.996645360e+01, v35;
	vm2 =	vnez.u8 v28;
	v28 =	vld [tilespmem:$0x1FFF0]  }
0xb0: {  	p0 =	slt.u32 s10, $0xC6;
	v2 =	vadd.f32 v10, v2;
	v31 =	vadd.f32 v36, v31  }
.Ltmp0:
0xb1: {  	v10 =	vsel vm5, $0x3F800000, v0;
	v13 =	vadd.f32 v20, v13;
	v32 =	vadd.f32 v35, v32;
	(pc) =	sbr.rel @p0 .LBB2_2-.Ltmp0, $4  }
0xb2: {  	v19 =	vsel vm4, $0x3F800000, v0;
	v22 =	vnsel vm15, $0xFF800000, v31;
	v31 =	vnsel vm2, $0x0, v30  }
0xb3: {  	v21 =	vnsel vm14, $0xFF800000, v32;
	v30 =	vsel vm2, $0x0, v30;
	v11 =	vadd.f32 v31, v11  }
0xb4: {  	v12 =	vadd.f32 v30, v12;
	v30 =	vnsel vm4, $0x0, v25;
	vm2 =	vnez.u8 v28  }
0xb5: {  	s11 =	sadd.s32 $0x80, s11;
	v14 =	vadd.f32 v30, v14;
	v28 =	vnsel vm2, $0x0, v29;
	v20 =	vsel vm2, $0x0, v29  }
0xb6: {  	v11 =	vadd.f32 v26, v11  }
0xb7: {  	v25 =	vsel vm4, $0x0, v25;
	v12 =	vadd.f32 v27, v12;
	v13 =	vadd.f32 v18, v13  }
0xb8: {  	v56 =	vnsel vm8, $0x0, v24;
	v6 =	vadd.f32 v19, v6;
	v1 =	vadd.f32 v16, v1  }
0xb9: {  	v57 =	vsel vm8, $0x0, v24;
	v3 =	vadd.f32 v15, v3;
	v14 =	vadd.f32 v28, v14  }
0xba: {  	v59 =	vnsel vm0, $0x0, v23;
	v5 =	vadd.f32 v25, v5;
	v7 =	vadd.f32 v56, v7  }
0xbb: {  	v62 =	vsel vm0, $0x0, v23;
	v8 =	vadd.f32 v57, v8;
	v4 =	vadd.f32 v59, v4  }
0xbc: {  	v58 =	vnsel vm5, $0x0, v21;
	v2 =	vadd.f32 v62, v2;
	v6 =	vadd.f32 v17, v6  }
0xbd: {  	v60 =	vsel vm5, $0x0, v21;
	v1 =	vadd.f32 v10, v1;
	v3 =	vadd.f32 v9, v3  }
0xbe: {  	v61 =	vnsel vm1, $0x0, v22;
	v5 =	vadd.f32 v20, v5;
	v7 =	vadd.f32 v58, v7  }
0xbf: {  	v63 =	vsel vm1, $0x0, v22;
	v8 =	vadd.f32 v60, v8;
	v4 =	vadd.f32 v61, v4  }
0xc0: {  	v11 =	vadd.f32 v14, v11;
	v2 =	vadd.f32 v63, v2  }
0xc1: {  	v6 =	vadd.f32 v6, v13;
	v1 =	vadd.f32 v3, v1  }
0xc2: {  	v4 =	vadd.f32 v4, v7;
	v5 =	vadd.f32 v5, v12  }
0xc3: {  	v2 =	vadd.f32 v2, v8;
	v1 =	vadd.f32 v1, v6  }
0xc4: {  	v4 =	vadd.f32 v4, v11  }
0xc5: {  	s9 =	sadd.s32 $0x1, s9;
	v2 =	vadd.f32 v2, v5;
	[tilespmem:$0x3300] =	vst v1  }
0xc6: {  	p0 =	sne.s32 s9, s5;
	[tilespmem:$0x3200] =	vst v4  }
.Ltmp1:
0xc7: {  	[tilespmem:$0x3280] =	vst v2;
	(pc) =	sbr.rel @p0 .LBB2_1-.Ltmp1, $4  }
0xc8: {  	[hbm4b:s4+s2] =	stream.linear.scatter [tilespmem:s7], [sflag:$0x2], $0x180, $0x38;
	[tilespmem:$0x3400] =	vst v63  }
0xc9: {  	_ =	swait.ge [sflag:s8], $0x180  }
0xca: {  	[sflag:s8] =	ssyncset.done $0x0  }
0xcb: {  	[sflag:s8] =	ssyncadd.s32 $0xFFFFFE80  }
0xcc: {  	_ =	sfence.sel $0x180000  }
0xcd: {  	[bflag:$0x0] =	sbarrier.arrive $0xFFFF  }
0xce: {  	p0 =	sne.s32 s0, $0x0;
	_ =	strace $0x90000047  }
0xcf: {  	s0 =	sadd.s32 @!p0 $0x100000, s1;
	[bflag:$0x2] =	sbarrier.arrive $0xFFFF  }
0xd0: {  	[sflag:s0] =	ssyncadd.tile.s32 @!p0 $0x1;
	_ =	shalt  }
.Lfunc_end2:
_tile_overlayer_lowered:
.L_overlay_start_2:
0xd1: {  	(tag) =	ssettag $0x2  }
0xd2: {  	s0 =	rddreg [dreg:$0x0];
	s2 =	stileid.u32  }
0xd3: {  	s1 =	rddreg [dreg:$0x1];
	p0 =	sne.s32 s2, $0x0  }
0xd4: {  	s3 =	rddreg [dreg:$0x2];
	[bflag:$0x3] =	sbarrier.arrive $0xFFFF;
	s2 =	simm.s32 @!p0 $0x1C02  }
0xd5: {  	[timem:s3], [sflag:s2] =	dma.local @!p0 [hbm:s0], s1  }
0xd6: {  	s0 =	simm.s32 @!p0 $0x2  }
0xd7: {  	_ =	swait.ge @!p0 [sflag:s0], s1  }
0xd8: {  	s1 =	ssub.s32 @!p0 $0x0, s1;
	[sflag:s0] =	ssyncset.done @!p0 $0x0  }
0xd9: {  	[sflag:s0] =	ssyncadd.s32 @!p0 s1  }
0xda: {  	[bflag:$0x3] =	sbarrier.arrive $0xFFFF  }
0xdb: {  	_ =	shalt  }

</sc_bundles>
